<compile_context>
chip_gen: v7x
topology: tpu7x:2x2x1
jax: 0.10.2.dev20260603
libtpu: 0.0.44.dev20260713+nightly
codegen_flags: <defaults>
</compile_context>

<pallas_src>
import functools

import jax
import jax.numpy as jnp
from jax import lax
from jax.experimental import pallas as pl
from jax.experimental.pallas import tpu as pltpu
from jax.experimental.pallas import tpu_sc as plsc

N = 10000
E = 320000
D = 128

NCORES = 2
NSUB = 16
NW = NCORES * NSUB

CHUNK = 128
CPT = 80
EPT = CPT * CHUNK
EPAD = EPT * NW
NPAD = 10240
RPT = NPAD // NSUB


@functools.cache
def _mesh():
    return plsc.VectorSubcoreMesh(
        core_axis_name="c", subcore_axis_name="s",
        num_cores=NCORES, num_subcores=NSUB)


def _deg_body(colp, iota, ones, zrows, dd, idxs_v, iot_v, ones_v,
              rows_v, ds0, ds1, deg_sh):
    c = lax.axis_index("c")
    s = lax.axis_index("s")
    nck = RPT // CHUNK
    pltpu.sync_copy(ones, ones_v)
    pltpu.sync_copy(zrows, rows_v)
    pltpu.sync_copy(iota.at[pl.ds(s * 8, 8)], iot_v)
    for t in range(nck):
        pltpu.sync_copy(rows_v, deg_sh.at[iot_v.at[t]])
    plsc.subcore_barrier()

    tcb = c * (NSUB * CPT) + s * CPT
    pltpu.sync_copy(colp.at[pl.ds(tcb, CPT)], idxs_v)

    def _fire(j, sem):
        pltpu.async_copy(ones_v, deg_sh.at[idxs_v.at[j]], sem, add=True)

    def _drain(sem):
        pltpu.make_async_copy(ones_v, deg_sh.at[idxs_v.at[0]], sem).wait()

    def _fire2(i, _):
        j0 = 2 * i

        @pl.when(i > 0)
        def _():
            _drain(ds0)

        _fire(j0, ds0)

        @pl.when(i > 0)
        def _():
            _drain(ds1)

        _fire(j0 + 1, ds1)
        return 0

    lax.fori_loop(0, CPT // 2, _fire2, 0)
    _drain(ds0)
    _drain(ds1)
    plsc.subcore_barrier()

    for t in range(nck):
        pltpu.sync_copy(deg_sh.at[iot_v.at[t]], rows_v)
        pltpu.sync_copy(rows_v, dd.at[c, pl.ds(s * RPT + t * CHUNK, CHUNK)])


@functools.cache
def _deg_call():
    return pl.kernel(
        _deg_body,
        out_type=jax.ShapeDtypeStruct((NCORES, NPAD, D), jnp.float32),
        mesh=_mesh(),
        scratch_types=(
            pltpu.VMEM((CPT, CHUNK), jnp.int32),
            pltpu.VMEM((8, CHUNK), jnp.int32),
            pltpu.VMEM((CHUNK, D), jnp.float32),
            pltpu.VMEM((CHUNK, D), jnp.float32),
            pltpu.SemaphoreType.DMA,
            pltpu.SemaphoreType.DMA,
            pltpu.VMEM_SHARED((NPAD, D), jnp.float32),
        ),
    )


def _agg_body(g, rowp, colp, iota, zrows, ss, rows_v, r0_v, r1_v, cidx_v,
              iot_v, gs0, gs1, is0, is1, acc_sh):
    c = lax.axis_index("c")
    s = lax.axis_index("s")
    nck = RPT // CHUNK

    pltpu.sync_copy(zrows, rows_v.at[0])
    pltpu.sync_copy(iota.at[pl.ds(s * 8, 8)], iot_v)
    for t in range(nck):
        pltpu.sync_copy(rows_v.at[0], acc_sh.at[iot_v.at[t]])
    plsc.subcore_barrier()

    tcb = c * (NSUB * CPT) + s * CPT
    pltpu.sync_copy(colp.at[pl.ds(tcb, CPT)], cidx_v)

    def _idx_load(jc, dst, sem):
        pltpu.async_copy(rowp.at[jc], dst, sem)

    def _idx_wait(dst, sem):
        pltpu.make_async_copy(rowp.at[0], dst, sem).wait()

    def _gather(idxref, b, sem):
        pltpu.async_copy(g.at[idxref], rows_v.at[b], sem)

    def _gather_wait(b, sem):
        pltpu.make_async_copy(g.at[r0_v], rows_v.at[b], sem).wait()

    def _scat(j, b):
        pltpu.sync_copy(rows_v.at[b], acc_sh.at[cidx_v.at[j]], add=True)

    pltpu.sync_copy(rowp.at[tcb], r0_v)
    _idx_load(tcb + 1, r1_v, is1)
    _gather(r0_v, 0, gs0)

    def _pair(i, _):
        j0 = 2 * i
        j1 = j0 + 1
        _gather_wait(0, gs0)

        @pl.when(j0 + 2 < CPT)
        def _():
            _idx_load(tcb + j0 + 2, r0_v, is0)

        _idx_wait(r1_v, is1)
        _gather(r1_v, 1, gs1)
        _scat(j0, 0)
        _gather_wait(1, gs1)

        @pl.when(j1 + 2 < CPT)
        def _():
            _idx_load(tcb + j1 + 2, r1_v, is1)

        @pl.when(j0 + 2 < CPT)
        def _():
            _idx_wait(r0_v, is0)
            _gather(r0_v, 0, gs0)

        _scat(j1, 1)
        return 0

    lax.fori_loop(0, CPT // 2, _pair, 0)
    plsc.subcore_barrier()

    for t in range(nck):
        rt = pl.ds(s * RPT + t * CHUNK, CHUNK)
        pltpu.sync_copy(acc_sh.at[iot_v.at[t]], rows_v.at[0])
        pltpu.sync_copy(rows_v.at[0], ss.at[c, rt])


@functools.cache
def _agg_call():
    return pl.kernel(
        _agg_body,
        out_type=jax.ShapeDtypeStruct((NCORES, NPAD, D), jnp.float32),
        mesh=_mesh(),
        scratch_types=(
            pltpu.VMEM((2, CHUNK, D), jnp.float32),
            pltpu.VMEM((CHUNK,), jnp.int32),
            pltpu.VMEM((CHUNK,), jnp.int32),
            pltpu.VMEM((CPT, CHUNK), jnp.int32),
            pltpu.VMEM((8, CHUNK), jnp.int32),
            pltpu.SemaphoreType.DMA,
            pltpu.SemaphoreType.DMA,
            pltpu.SemaphoreType.DMA,
            pltpu.SemaphoreType.DMA,
            pltpu.VMEM_SHARED((NPAD, D), jnp.float32),
        ),
    )


_MMB = 1280


def _mm_body(x_ref, w_ref, p0_ref, p1_ref, h_ref, g_ref):
    h = jnp.dot(x_ref[...], w_ref[...], preferred_element_type=jnp.float32)
    deg = p0_ref[...] + p1_ref[...] + 1.0
    dinv = lax.rsqrt(deg)
    h_ref[...] = h
    g_ref[...] = h * dinv


_mm_call = pl.pallas_call(
    _mm_body,
    grid=(NPAD // _MMB,),
    in_specs=[
        pl.BlockSpec((_MMB, D), lambda i: (i, 0)),
        pl.BlockSpec((D, D), lambda i: (0, 0)),
        pl.BlockSpec((_MMB, 1), lambda i: (i, 0)),
        pl.BlockSpec((_MMB, 1), lambda i: (i, 0)),
    ],
    out_specs=[
        pl.BlockSpec((_MMB, D), lambda i: (i, 0)),
        pl.BlockSpec((_MMB, D), lambda i: (i, 0)),
    ],
    out_shape=[
        jax.ShapeDtypeStruct((NPAD, D), jnp.float32),
        jax.ShapeDtypeStruct((NPAD, D), jnp.float32),
    ],
)


_OB = 2000


def _out_body(s0_ref, s1_ref, h_ref, p0_ref, p1_ref, b_ref, o_ref):
    deg = p0_ref[...] + p1_ref[...] + 1.0
    dinv = lax.rsqrt(deg)
    ssum = s0_ref[...] + s1_ref[...]
    o_ref[...] = dinv * ssum + h_ref[...] / deg + b_ref[...]


_out_call = pl.pallas_call(
    _out_body,
    grid=(N // _OB,),
    in_specs=[
        pl.BlockSpec((_OB, D), lambda i: (i, 0)),
        pl.BlockSpec((_OB, D), lambda i: (i, 0)),
        pl.BlockSpec((_OB, D), lambda i: (i, 0)),
        pl.BlockSpec((_OB, 1), lambda i: (i, 0)),
        pl.BlockSpec((_OB, 1), lambda i: (i, 0)),
        pl.BlockSpec((1, D), lambda i: (0, 0)),
    ],
    out_specs=pl.BlockSpec((_OB, D), lambda i: (i, 0)),
    out_shape=jax.ShapeDtypeStruct((N, D), jnp.float32),
)


@jax.jit
def kernel(x, edge_index, weight, bias):
    row = edge_index[0]
    col = edge_index[1]

    pad = EPAD - E
    pad_rows = (jnp.arange(pad, dtype=jnp.int32) * 997) % N
    pad_cols = N + (jnp.arange(pad, dtype=jnp.int32) % (NPAD - N))
    rowp = jnp.concatenate([row, pad_rows]).reshape(EPAD // CHUNK, CHUNK)
    colp = jnp.concatenate([col, pad_cols]).reshape(EPAD // CHUNK, CHUNK)

    ones128 = jnp.ones((CHUNK, D), jnp.float32)
    zrows = jnp.zeros((CHUNK, D), jnp.float32)

    iota_n = jnp.pad(
        jnp.arange(NPAD, dtype=jnp.int32).reshape(NSUB, RPT // CHUNK, CHUNK),
        ((0, 0), (0, 8 - RPT // CHUNK), (0, 0))).reshape(NSUB * 8, CHUNK)
    dd = _deg_call()(colp, iota_n, ones128, zrows)
    p0 = dd[0, :, 0:1]
    p1 = dd[1, :, 0:1]

    xpad = jnp.concatenate(
        [x, jnp.zeros((NPAD - N, x.shape[1]), x.dtype)], axis=0)
    h, g = _mm_call(xpad, weight, p0, p1)

    ss = _agg_call()(g, rowp, colp, iota_n, zrows)
    s0 = ss[0]
    s1 = ss[1]

    out = _out_call(s0[:N], s1[:N], h[:N], p0[:N], p1[:N],
                    bias.reshape(1, D))
    return out

# --- scband reference (transcript-rebuilt; emitter-appended) ---
"""Pipeline reference for scband-optimized-gcn-59536836657839 (READ-ONLY COPY).

The authoritative reference and input builder live on the scoring server;
editing this copy changes nothing except your own understanding.
"""

import jax, jax.numpy as jnp
import numpy as np

N, E, D_IN, D_OUT = 10000, 320000, 128, 128


def setup_inputs(seed: int = 0) -> dict:
    key = jax.random.key(seed)
    k1, k2, k3 = jax.random.split(key, 3)
    x = jax.random.normal(k1, (N, D_IN), dtype=jnp.float32)
    edge_index = jax.random.randint(k2, (2, E), 0, N, dtype=jnp.int32)
    limit = float(np.sqrt(6.0 / (D_IN + D_OUT)))
    weight = jax.random.uniform(k3, (D_IN, D_OUT), minval=-limit, maxval=limit, dtype=jnp.float32)
    bias = jnp.zeros((D_OUT,), dtype=jnp.float32)
    return {"x": x, "edge_index": edge_index, "weight": weight, "bias": bias}


def reference(x, edge_index, weight, bias):
    num_nodes = x.shape[0]
    # x = x @ W
    h = jnp.matmul(x, weight)
    # add_self_loops
    loop = jnp.arange(num_nodes, dtype=edge_index.dtype)
    ei = jnp.concatenate([edge_index, jnp.stack([loop, loop], axis=0)], axis=1)
    ew = jnp.ones((ei.shape[1],), dtype=h.dtype)
    row, col = ei[0], ei[1]
    # gcn_norm: D^(-1/2) A D^(-1/2)
    deg = jnp.zeros((num_nodes,), dtype=h.dtype).at[col].add(ew)
    deg_inv_sqrt = jnp.where(deg > 0, deg ** -0.5, 0.0)
    ew = deg_inv_sqrt[row] * ew * deg_inv_sqrt[col]
    # message: gather source features, scale by normalized edge weight
    x_j = h[row] * ew[:, None]
    # aggregate: scatter-add into destination nodes
    out = jnp.zeros((num_nodes, h.shape[1]), dtype=h.dtype).at[col].add(x_j)
    return out + bias

if __name__ == "__main__":
    import jax
    _d = setup_inputs()
    print(jax.jit(kernel)(*tuple(_d.values())))

</pallas_src>

<mosaic_0001>
#map = affine_map<(d0, d1) -> (0, 0)>
#map1 = affine_map<(d0, d1) -> (0, 0, 0)>
module attributes {stable_mosaic.version = 14 : i64} {
  func.func @_deg_body(%arg0: i32, %arg1: i32, %arg2: memref<2560x128xi32, #tpu.memory_space<hbm>>, %arg3: memref<128x128xi32, #tpu.memory_space<hbm>>, %arg4: memref<128x128xf32, #tpu.memory_space<hbm>>, %arg5: memref<128x128xf32, #tpu.memory_space<hbm>>, %arg6: memref<2x10240x128xf32, #tpu.memory_space<hbm>>, %arg7: memref<80x128xi32, #tpu.memory_space<vmem>>, %arg8: memref<8x128xi32, #tpu.memory_space<vmem>>, %arg9: memref<128x128xf32, #tpu.memory_space<vmem>>, %arg10: memref<128x128xf32, #tpu.memory_space<vmem>>, %arg11: memref<!tpu.dma_semaphore, #tpu.memory_space<semaphore_mem>>, %arg12: memref<!tpu.dma_semaphore, #tpu.memory_space<semaphore_mem>>, %arg13: memref<10240x128xf32, #tpu.memory_space<vmem_shared>>) attributes {dimension_semantics = [#tpu.dimension_semantics<core_parallel>, #tpu.dimension_semantics<subcore_parallel>], iteration_bounds = array<i64: 2, 16>, scalar_prefetch = 0 : i64, scratch_operands = 7 : i64, tpu.core_type = #tpu.core_type<sc_vector_subcore>, window_params = [{transform_indices = #map}, {transform_indices = #map}, {transform_indices = #map}, {transform_indices = #map}, {transform_indices = #map1}]} {
    "tpu.region"() ({
      %run_scoped3A_54 = tpu.sem_alloc : memref<!tpu.dma_semaphore, #tpu.memory_space<semaphore_mem>>
      tpu.enqueue_dma source(%arg4 : memref<128x128xf32, #tpu.memory_space<hbm>>) target(%arg9 : memref<128x128xf32, #tpu.memory_space<vmem>>) target_semaphore(%run_scoped3A_54 : memref<!tpu.dma_semaphore, #tpu.memory_space<semaphore_mem>>)
      tpu.wait_dma2 semaphore(%run_scoped3A_54 : memref<!tpu.dma_semaphore, #tpu.memory_space<semaphore_mem>>) src(%arg4 : memref<128x128xf32, #tpu.memory_space<hbm>>) dst(%arg9 : memref<128x128xf32, #tpu.memory_space<vmem>>)
      tpu.yield
    }) : () -> ()
    "tpu.region"() ({
      %run_scoped3A_54 = tpu.sem_alloc : memref<!tpu.dma_semaphore, #tpu.memory_space<semaphore_mem>>
      tpu.enqueue_dma source(%arg5 : memref<128x128xf32, #tpu.memory_space<hbm>>) target(%arg10 : memref<128x128xf32, #tpu.memory_space<vmem>>) target_semaphore(%run_scoped3A_54 : memref<!tpu.dma_semaphore, #tpu.memory_space<semaphore_mem>>)
      tpu.wait_dma2 semaphore(%run_scoped3A_54 : memref<!tpu.dma_semaphore, #tpu.memory_space<semaphore_mem>>) src(%arg5 : memref<128x128xf32, #tpu.memory_space<hbm>>) dst(%arg10 : memref<128x128xf32, #tpu.memory_space<vmem>>)
      tpu.yield
    }) : () -> ()
    %mul3A = arith.constant 8 : i32
    %mul3A_0 = arith.muli %arg1, %mul3A : i32
    "tpu.region"() ({
      %run_scoped3A_54 = tpu.sem_alloc : memref<!tpu.dma_semaphore, #tpu.memory_space<semaphore_mem>>
      %dma_start3A = arith.constant 0 : i32
      %dma_start3A_55 = tpu.memref_slice %arg3[%mul3A_0, %dma_start3A] : memref<128x128xi32, #tpu.memory_space<hbm>> -> memref<8x128xi32, #tpu.memory_space<hbm>>
      %dma_start3A_56 = arith.constant 0 : i32
      %dma_start3A_57 = tpu.memref_slice %arg3[%mul3A_0, %dma_start3A_56] : memref<128x128xi32, #tpu.memory_space<hbm>> -> memref<8x128xi32, #tpu.memory_space<hbm>>
      tpu.enqueue_dma source(%dma_start3A_57 : memref<8x128xi32, #tpu.memory_space<hbm>>) target(%arg8 : memref<8x128xi32, #tpu.memory_space<vmem>>) target_semaphore(%run_scoped3A_54 : memref<!tpu.dma_semaphore, #tpu.memory_space<semaphore_mem>>)
      %dma_wait3A_58 = arith.constant 0 : i32
      %dma_wait3A_59 = tpu.memref_slice %arg3[%mul3A_0, %dma_wait3A_58] : memref<128x128xi32, #tpu.memory_space<hbm>> -> memref<8x128xi32, #tpu.memory_space<hbm>>
      %dma_wait3A_60 = arith.constant 0 : i32
      %dma_wait3A_61 = tpu.memref_slice %arg3[%mul3A_0, %dma_wait3A_60] : memref<128x128xi32, #tpu.memory_space<hbm>> -> memref<8x128xi32, #tpu.memory_space<hbm>>
      tpu.wait_dma2 semaphore(%run_scoped3A_54 : memref<!tpu.dma_semaphore, #tpu.memory_space<semaphore_mem>>) src(%dma_wait3A_61 : memref<8x128xi32, #tpu.memory_space<hbm>>) dst(%arg8 : memref<8x128xi32, #tpu.memory_space<vmem>>)
      tpu.yield
    }) : () -> ()
    %run_scoped3A = arith.constant 0 : i32
    "tpu.region"() ({
      %run_scoped3A_54 = tpu.sem_alloc : memref<!tpu.dma_semaphore, #tpu.memory_space<semaphore_mem>>
      %dma_start3A = arith.constant 0 : i32
      %dma_start3A_55 = tpu.memref_slice %arg8[%run_scoped3A, %dma_start3A] : memref<8x128xi32, #tpu.memory_space<vmem>> -> memref<1x128xi32, #tpu.memory_space<vmem>>
      %dma_start3A_56 = tpu.memref_squeeze %dma_start3A_55 : memref<1x128xi32, #tpu.memory_space<vmem>> -> memref<128xi32, #tpu.memory_space<vmem>>
      %dma_start3A_57 = arith.constant 0 : i32
      %dma_start3A_58 = arith.constant 0 : i32
      %dma_start3A_59 = tpu.memref_slice %arg13[%dma_start3A_57, %dma_start3A_58] : memref<10240x128xf32, #tpu.memory_space<vmem_shared>> -> memref<10240x128xf32, #tpu.memory_space<vmem_shared>>
      tpu.enqueue_indirect_dma source(%arg10 : memref<128x128xf32, #tpu.memory_space<vmem>>) target(%dma_start3A_59 : memref<10240x128xf32, #tpu.memory_space<vmem_shared>>) offsets(%dma_start3A_56 : memref<128xi32, #tpu.memory_space<vmem>>) semaphore(%run_scoped3A_54 : memref<!tpu.dma_semaphore, #tpu.memory_space<semaphore_mem>>)
      %dma_wait3A_60 = arith.constant 0 : i32
      %dma_wait3A_61 = tpu.memref_slice %arg8[%run_scoped3A, %dma_wait3A_60] : memref<8x128xi32, #tpu.memory_space<vmem>> -> memref<1x128xi32, #tpu.memory_space<vmem>>
      %dma_wait3A_62 = tpu.memref_squeeze %dma_wait3A_61 : memref<1x128xi32, #tpu.memory_space<vmem>> -> memref<128xi32, #tpu.memory_space<vmem>>
      %dma_wait3A_63 = arith.constant 0 : i32
      %dma_wait3A_64 = arith.constant 0 : i32
      %dma_wait3A_65 = tpu.memref_slice %arg13[%dma_wait3A_63, %dma_wait3A_64] : memref<10240x128xf32, #tpu.memory_space<vmem_shared>> -> memref<10240x128xf32, #tpu.memory_space<vmem_shared>>
      tpu.wait_indirect_dma semaphore(%run_scoped3A_54 : memref<!tpu.dma_semaphore, #tpu.memory_space<semaphore_mem>>) src(%arg10 : memref<128x128xf32, #tpu.memory_space<vmem>>) dst(%dma_wait3A_65 : memref<10240x128xf32, #tpu.memory_space<vmem_shared>>)
      tpu.yield
    }) : () -> ()
    %run_scoped3A_1 = arith.constant 1 : i32
    "tpu.region"() ({
      %run_scoped3A_54 = tpu.sem_alloc : memref<!tpu.dma_semaphore, #tpu.memory_space<semaphore_mem>>
      %dma_start3A = arith.constant 0 : i32
      %dma_start3A_55 = tpu.memref_slice %arg8[%run_scoped3A_1, %dma_start3A] : memref<8x128xi32, #tpu.memory_space<vmem>> -> memref<1x128xi32, #tpu.memory_space<vmem>>
      %dma_start3A_56 = tpu.memref_squeeze %dma_start3A_55 : memref<1x128xi32, #tpu.memory_space<vmem>> -> memref<128xi32, #tpu.memory_space<vmem>>
      %dma_start3A_57 = arith.constant 0 : i32
      %dma_start3A_58 = arith.constant 0 : i32
      %dma_start3A_59 = tpu.memref_slice %arg13[%dma_start3A_57, %dma_start3A_58] : memref<10240x128xf32, #tpu.memory_space<vmem_shared>> -> memref<10240x128xf32, #tpu.memory_space<vmem_shared>>
      tpu.enqueue_indirect_dma source(%arg10 : memref<128x128xf32, #tpu.memory_space<vmem>>) target(%dma_start3A_59 : memref<10240x128xf32, #tpu.memory_space<vmem_shared>>) offsets(%dma_start3A_56 : memref<128xi32, #tpu.memory_space<vmem>>) semaphore(%run_scoped3A_54 : memref<!tpu.dma_semaphore, #tpu.memory_space<semaphore_mem>>)
      %dma_wait3A_60 = arith.constant 0 : i32
      %dma_wait3A_61 = tpu.memref_slice %arg8[%run_scoped3A_1, %dma_wait3A_60] : memref<8x128xi32, #tpu.memory_space<vmem>> -> memref<1x128xi32, #tpu.memory_space<vmem>>
      %dma_wait3A_62 = tpu.memref_squeeze %dma_wait3A_61 : memref<1x128xi32, #tpu.memory_space<vmem>> -> memref<128xi32, #tpu.memory_space<vmem>>
      %dma_wait3A_63 = arith.constant 0 : i32
      %dma_wait3A_64 = arith.constant 0 : i32
      %dma_wait3A_65 = tpu.memref_slice %arg13[%dma_wait3A_63, %dma_wait3A_64] : memref<10240x128xf32, #tpu.memory_space<vmem_shared>> -> memref<10240x128xf32, #tpu.memory_space<vmem_shared>>
      tpu.wait_indirect_dma semaphore(%run_scoped3A_54 : memref<!tpu.dma_semaphore, #tpu.memory_space<semaphore_mem>>) src(%arg10 : memref<128x128xf32, #tpu.memory_space<vmem>>) dst(%dma_wait3A_65 : memref<10240x128xf32, #tpu.memory_space<vmem_shared>>)
      tpu.yield
    }) : () -> ()
    %run_scoped3A_2 = arith.constant 2 : i32
    "tpu.region"() ({
      %run_scoped3A_54 = tpu.sem_alloc : memref<!tpu.dma_semaphore, #tpu.memory_space<semaphore_mem>>
      %dma_start3A = arith.constant 0 : i32
      %dma_start3A_55 = tpu.memref_slice %arg8[%run_scoped3A_2, %dma_start3A] : memref<8x128xi32, #tpu.memory_space<vmem>> -> memref<1x128xi32, #tpu.memory_space<vmem>>
      %dma_start3A_56 = tpu.memref_squeeze %dma_start3A_55 : memref<1x128xi32, #tpu.memory_space<vmem>> -> memref<128xi32, #tpu.memory_space<vmem>>
      %dma_start3A_57 = arith.constant 0 : i32
      %dma_start3A_58 = arith.constant 0 : i32
      %dma_start3A_59 = tpu.memref_slice %arg13[%dma_start3A_57, %dma_start3A_58] : memref<10240x128xf32, #tpu.memory_space<vmem_shared>> -> memref<10240x128xf32, #tpu.memory_space<vmem_shared>>
      tpu.enqueue_indirect_dma source(%arg10 : memref<128x128xf32, #tpu.memory_space<vmem>>) target(%dma_start3A_59 : memref<10240x128xf32, #tpu.memory_space<vmem_shared>>) offsets(%dma_start3A_56 : memref<128xi32, #tpu.memory_space<vmem>>) semaphore(%run_scoped3A_54 : memref<!tpu.dma_semaphore, #tpu.memory_space<semaphore_mem>>)
      %dma_wait3A_60 = arith.constant 0 : i32
      %dma_wait3A_61 = tpu.memref_slice %arg8[%run_scoped3A_2, %dma_wait3A_60] : memref<8x128xi32, #tpu.memory_space<vmem>> -> memref<1x128xi32, #tpu.memory_space<vmem>>
      %dma_wait3A_62 = tpu.memref_squeeze %dma_wait3A_61 : memref<1x128xi32, #tpu.memory_space<vmem>> -> memref<128xi32, #tpu.memory_space<vmem>>
      %dma_wait3A_63 = arith.constant 0 : i32
      %dma_wait3A_64 = arith.constant 0 : i32
      %dma_wait3A_65 = tpu.memref_slice %arg13[%dma_wait3A_63, %dma_wait3A_64] : memref<10240x128xf32, #tpu.memory_space<vmem_shared>> -> memref<10240x128xf32, #tpu.memory_space<vmem_shared>>
      tpu.wait_indirect_dma semaphore(%run_scoped3A_54 : memref<!tpu.dma_semaphore, #tpu.memory_space<semaphore_mem>>) src(%arg10 : memref<128x128xf32, #tpu.memory_space<vmem>>) dst(%dma_wait3A_65 : memref<10240x128xf32, #tpu.memory_space<vmem_shared>>)
      tpu.yield
    }) : () -> ()
    %run_scoped3A_3 = arith.constant 3 : i32
    "tpu.region"() ({
      %run_scoped3A_54 = tpu.sem_alloc : memref<!tpu.dma_semaphore, #tpu.memory_space<semaphore_mem>>
      %dma_start3A = arith.constant 0 : i32
      %dma_start3A_55 = tpu.memref_slice %arg8[%run_scoped3A_3, %dma_start3A] : memref<8x128xi32, #tpu.memory_space<vmem>> -> memref<1x128xi32, #tpu.memory_space<vmem>>
      %dma_start3A_56 = tpu.memref_squeeze %dma_start3A_55 : memref<1x128xi32, #tpu.memory_space<vmem>> -> memref<128xi32, #tpu.memory_space<vmem>>
      %dma_start3A_57 = arith.constant 0 : i32
      %dma_start3A_58 = arith.constant 0 : i32
      %dma_start3A_59 = tpu.memref_slice %arg13[%dma_start3A_57, %dma_start3A_58] : memref<10240x128xf32, #tpu.memory_space<vmem_shared>> -> memref<10240x128xf32, #tpu.memory_space<vmem_shared>>
      tpu.enqueue_indirect_dma source(%arg10 : memref<128x128xf32, #tpu.memory_space<vmem>>) target(%dma_start3A_59 : memref<10240x128xf32, #tpu.memory_space<vmem_shared>>) offsets(%dma_start3A_56 : memref<128xi32, #tpu.memory_space<vmem>>) semaphore(%run_scoped3A_54 : memref<!tpu.dma_semaphore, #tpu.memory_space<semaphore_mem>>)
      %dma_wait3A_60 = arith.constant 0 : i32
      %dma_wait3A_61 = tpu.memref_slice %arg8[%run_scoped3A_3, %dma_wait3A_60] : memref<8x128xi32, #tpu.memory_space<vmem>> -> memref<1x128xi32, #tpu.memory_space<vmem>>
      %dma_wait3A_62 = tpu.memref_squeeze %dma_wait3A_61 : memref<1x128xi32, #tpu.memory_space<vmem>> -> memref<128xi32, #tpu.memory_space<vmem>>
      %dma_wait3A_63 = arith.constant 0 : i32
      %dma_wait3A_64 = arith.constant 0 : i32
      %dma_wait3A_65 = tpu.memref_slice %arg13[%dma_wait3A_63, %dma_wait3A_64] : memref<10240x128xf32, #tpu.memory_space<vmem_shared>> -> memref<10240x128xf32, #tpu.memory_space<vmem_shared>>
      tpu.wait_indirect_dma semaphore(%run_scoped3A_54 : memref<!tpu.dma_semaphore, #tpu.memory_space<semaphore_mem>>) src(%arg10 : memref<128x128xf32, #tpu.memory_space<vmem>>) dst(%dma_wait3A_65 : memref<10240x128xf32, #tpu.memory_space<vmem_shared>>)
      tpu.yield
    }) : () -> ()
    %run_scoped3A_4 = arith.constant 4 : i32
    "tpu.region"() ({
      %run_scoped3A_54 = tpu.sem_alloc : memref<!tpu.dma_semaphore, #tpu.memory_space<semaphore_mem>>
      %dma_start3A = arith.constant 0 : i32
      %dma_start3A_55 = tpu.memref_slice %arg8[%run_scoped3A_4, %dma_start3A] : memref<8x128xi32, #tpu.memory_space<vmem>> -> memref<1x128xi32, #tpu.memory_space<vmem>>
      %dma_start3A_56 = tpu.memref_squeeze %dma_start3A_55 : memref<1x128xi32, #tpu.memory_space<vmem>> -> memref<128xi32, #tpu.memory_space<vmem>>
      %dma_start3A_57 = arith.constant 0 : i32
      %dma_start3A_58 = arith.constant 0 : i32
      %dma_start3A_59 = tpu.memref_slice %arg13[%dma_start3A_57, %dma_start3A_58] : memref<10240x128xf32, #tpu.memory_space<vmem_shared>> -> memref<10240x128xf32, #tpu.memory_space<vmem_shared>>
      tpu.enqueue_indirect_dma source(%arg10 : memref<128x128xf32, #tpu.memory_space<vmem>>) target(%dma_start3A_59 : memref<10240x128xf32, #tpu.memory_space<vmem_shared>>) offsets(%dma_start3A_56 : memref<128xi32, #tpu.memory_space<vmem>>) semaphore(%run_scoped3A_54 : memref<!tpu.dma_semaphore, #tpu.memory_space<semaphore_mem>>)
      %dma_wait3A_60 = arith.constant 0 : i32
      %dma_wait3A_61 = tpu.memref_slice %arg8[%run_scoped3A_4, %dma_wait3A_60] : memref<8x128xi32, #tpu.memory_space<vmem>> -> memref<1x128xi32, #tpu.memory_space<vmem>>
      %dma_wait3A_62 = tpu.memref_squeeze %dma_wait3A_61 : memref<1x128xi32, #tpu.memory_space<vmem>> -> memref<128xi32, #tpu.memory_space<vmem>>
      %dma_wait3A_63 = arith.constant 0 : i32
      %dma_wait3A_64 = arith.constant 0 : i32
      %dma_wait3A_65 = tpu.memref_slice %arg13[%dma_wait3A_63, %dma_wait3A_64] : memref<10240x128xf32, #tpu.memory_space<vmem_shared>> -> memref<10240x128xf32, #tpu.memory_space<vmem_shared>>
      tpu.wait_indirect_dma semaphore(%run_scoped3A_54 : memref<!tpu.dma_semaphore, #tpu.memory_space<semaphore_mem>>) src(%arg10 : memref<128x128xf32, #tpu.memory_space<vmem>>) dst(%dma_wait3A_65 : memref<10240x128xf32, #tpu.memory_space<vmem_shared>>)
      tpu.yield
    }) : () -> ()
    %barrier3A = arith.constant 0 : index
    tpu.barrier barrier_id(%barrier3A)
    %mul3A_5 = arith.constant 1280 : i32
    %mul3A_6 = arith.muli %arg0, %mul3A_5 : i32
    %mul3A_7 = arith.constant 80 : i32
    %mul3A_8 = arith.muli %arg1, %mul3A_7 : i32
    %add3A = arith.addi %mul3A_6, %mul3A_8 : i32
    "tpu.region"() ({
      %run_scoped3A_54 = tpu.sem_alloc : memref<!tpu.dma_semaphore, #tpu.memory_space<semaphore_mem>>
      %dma_start3A = arith.constant 0 : i32
      %dma_start3A_55 = tpu.memref_slice %arg2[%add3A, %dma_start3A] : memref<2560x128xi32, #tpu.memory_space<hbm>> -> memref<80x128xi32, #tpu.memory_space<hbm>>
      %dma_start3A_56 = arith.constant 0 : i32
      %dma_start3A_57 = tpu.memref_slice %arg2[%add3A, %dma_start3A_56] : memref<2560x128xi32, #tpu.memory_space<hbm>> -> memref<80x128xi32, #tpu.memory_space<hbm>>
      tpu.enqueue_dma source(%dma_start3A_57 : memref<80x128xi32, #tpu.memory_space<hbm>>) target(%arg7 : memref<80x128xi32, #tpu.memory_space<vmem>>) target_semaphore(%run_scoped3A_54 : memref<!tpu.dma_semaphore, #tpu.memory_space<semaphore_mem>>)
      %dma_wait3A_58 = arith.constant 0 : i32
      %dma_wait3A_59 = tpu.memref_slice %arg2[%add3A, %dma_wait3A_58] : memref<2560x128xi32, #tpu.memory_space<hbm>> -> memref<80x128xi32, #tpu.memory_space<hbm>>
      %dma_wait3A_60 = arith.constant 0 : i32
      %dma_wait3A_61 = tpu.memref_slice %arg2[%add3A, %dma_wait3A_60] : memref<2560x128xi32, #tpu.memory_space<hbm>> -> memref<80x128xi32, #tpu.memory_space<hbm>>
      tpu.wait_dma2 semaphore(%run_scoped3A_54 : memref<!tpu.dma_semaphore, #tpu.memory_space<semaphore_mem>>) src(%dma_wait3A_61 : memref<80x128xi32, #tpu.memory_space<hbm>>) dst(%arg7 : memref<80x128xi32, #tpu.memory_space<vmem>>)
      tpu.yield
    }) : () -> ()
    %scan3A = arith.constant 0 : i32
    %scan3A_9 = arith.constant 0 : i32
    %scan3A_10 = arith.constant 40 : i32
    %scan3A_11 = arith.addi %scan3A_9, %scan3A_10 : i32
    %scan3A_12 = arith.constant 1 : i32
    %scan3A_13 = scf.for %scan3A_54 = %scan3A_9 to %scan3A_11 step %scan3A_12 iter_args(%scan3A_55 = %scan3A) -> (i32)  : i32 {
      %mul3A_56 = arith.constant 2 : i32
      %mul3A_57 = arith.muli %mul3A_56, %scan3A_54 : i32
      %gt3A = arith.constant 0 : i32
      %gt3A_58 = arith.cmpi sgt, %scan3A_54, %gt3A : i32
      %convert_element_type3A = arith.extui %gt3A_58 : i1 to i32
      %cond3A = arith.constant 0 : i32
      %cond3A_59 = arith.cmpi ne, %convert_element_type3A, %cond3A : i32
      scf.if %cond3A_59 {
        %dma_wait3A_79 = arith.constant 0 : i32
        %dma_wait3A_80 = arith.constant 0 : i32
        %dma_wait3A_81 = tpu.memref_slice %arg7[%dma_wait3A_79, %dma_wait3A_80] : memref<80x128xi32, #tpu.memory_space<vmem>> -> memref<1x128xi32, #tpu.memory_space<vmem>>
        %dma_wait3A_82 = tpu.memref_squeeze %dma_wait3A_81 : memref<1x128xi32, #tpu.memory_space<vmem>> -> memref<128xi32, #tpu.memory_space<vmem>>
        %dma_wait3A_83 = arith.constant 0 : i32
        %dma_wait3A_84 = arith.constant 0 : i32
        %dma_wait3A_85 = tpu.memref_slice %arg13[%dma_wait3A_83, %dma_wait3A_84] : memref<10240x128xf32, #tpu.memory_space<vmem_shared>> -> memref<10240x128xf32, #tpu.memory_space<vmem_shared>>
        tpu.wait_indirect_dma semaphore(%arg11 : memref<!tpu.dma_semaphore, #tpu.memory_space<semaphore_mem>>) src(%arg9 : memref<128x128xf32, #tpu.memory_space<vmem>>) dst(%dma_wait3A_85 : memref<10240x128xf32, #tpu.memory_space<vmem_shared>>)
      } else {
      }
      %dma_start3A = arith.constant 0 : i32
      %dma_start3A_60 = tpu.memref_slice %arg7[%mul3A_57, %dma_start3A] : memref<80x128xi32, #tpu.memory_space<vmem>> -> memref<1x128xi32, #tpu.memory_space<vmem>>
      %dma_start3A_61 = tpu.memref_squeeze %dma_start3A_60 : memref<1x128xi32, #tpu.memory_space<vmem>> -> memref<128xi32, #tpu.memory_space<vmem>>
      %dma_start3A_62 = arith.constant 0 : i32
      %dma_start3A_63 = arith.constant 0 : i32
      %dma_start3A_64 = tpu.memref_slice %arg13[%dma_start3A_62, %dma_start3A_63] : memref<10240x128xf32, #tpu.memory_space<vmem_shared>> -> memref<10240x128xf32, #tpu.memory_space<vmem_shared>>
      tpu.enqueue_indirect_dma source(%arg9 : memref<128x128xf32, #tpu.memory_space<vmem>>) target(%dma_start3A_64 : memref<10240x128xf32, #tpu.memory_space<vmem_shared>>) offsets(%dma_start3A_61 : memref<128xi32, #tpu.memory_space<vmem>>) semaphore(%arg11 : memref<!tpu.dma_semaphore, #tpu.memory_space<semaphore_mem>>) {add = true}
      %gt3A_65 = arith.constant 0 : i32
      %gt3A_66 = arith.cmpi sgt, %scan3A_54, %gt3A_65 : i32
      %convert_element_type3A_67 = arith.extui %gt3A_66 : i1 to i32
      %cond3A_68 = arith.constant 0 : i32
      %cond3A_69 = arith.cmpi ne, %convert_element_type3A_67, %cond3A_68 : i32
      scf.if %cond3A_69 {
        %dma_wait3A_79 = arith.constant 0 : i32
        %dma_wait3A_80 = arith.constant 0 : i32
        %dma_wait3A_81 = tpu.memref_slice %arg7[%dma_wait3A_79, %dma_wait3A_80] : memref<80x128xi32, #tpu.memory_space<vmem>> -> memref<1x128xi32, #tpu.memory_space<vmem>>
        %dma_wait3A_82 = tpu.memref_squeeze %dma_wait3A_81 : memref<1x128xi32, #tpu.memory_space<vmem>> -> memref<128xi32, #tpu.memory_space<vmem>>
        %dma_wait3A_83 = arith.constant 0 : i32
        %dma_wait3A_84 = arith.constant 0 : i32
        %dma_wait3A_85 = tpu.memref_slice %arg13[%dma_wait3A_83, %dma_wait3A_84] : memref<10240x128xf32, #tpu.memory_space<vmem_shared>> -> memref<10240x128xf32, #tpu.memory_space<vmem_shared>>
        tpu.wait_indirect_dma semaphore(%arg12 : memref<!tpu.dma_semaphore, #tpu.memory_space<semaphore_mem>>) src(%arg9 : memref<128x128xf32, #tpu.memory_space<vmem>>) dst(%dma_wait3A_85 : memref<10240x128xf32, #tpu.memory_space<vmem_shared>>)
      } else {
      }
      %add3A_70 = arith.constant 1 : i32
      %add3A_71 = arith.addi %mul3A_57, %add3A_70 : i32
      %dma_start3A_72 = arith.constant 0 : i32
      %dma_start3A_73 = tpu.memref_slice %arg7[%add3A_71, %dma_start3A_72] : memref<80x128xi32, #tpu.memory_space<vmem>> -> memref<1x128xi32, #tpu.memory_space<vmem>>
      %dma_start3A_74 = tpu.memref_squeeze %dma_start3A_73 : memref<1x128xi32, #tpu.memory_space<vmem>> -> memref<128xi32, #tpu.memory_space<vmem>>
      %dma_start3A_75 = arith.constant 0 : i32
      %dma_start3A_76 = arith.constant 0 : i32
      %dma_start3A_77 = tpu.memref_slice %arg13[%dma_start3A_75, %dma_start3A_76] : memref<10240x128xf32, #tpu.memory_space<vmem_shared>> -> memref<10240x128xf32, #tpu.memory_space<vmem_shared>>
      tpu.enqueue_indirect_dma source(%arg9 : memref<128x128xf32, #tpu.memory_space<vmem>>) target(%dma_start3A_77 : memref<10240x128xf32, #tpu.memory_space<vmem_shared>>) offsets(%dma_start3A_74 : memref<128xi32, #tpu.memory_space<vmem>>) semaphore(%arg12 : memref<!tpu.dma_semaphore, #tpu.memory_space<semaphore_mem>>) {add = true}
      %scan3A_78 = arith.constant 0 : i32
      scf.yield %scan3A_78 : i32
    }
    %scan3A_14 = arith.constant 40 : i32
    %dma_wait3A = arith.constant 0 : i32
    %dma_wait3A_15 = arith.constant 0 : i32
    %dma_wait3A_16 = tpu.memref_slice %arg7[%dma_wait3A, %dma_wait3A_15] : memref<80x128xi32, #tpu.memory_space<vmem>> -> memref<1x128xi32, #tpu.memory_space<vmem>>
    %dma_wait3A_17 = tpu.memref_squeeze %dma_wait3A_16 : memref<1x128xi32, #tpu.memory_space<vmem>> -> memref<128xi32, #tpu.memory_space<vmem>>
    %dma_wait3A_18 = arith.constant 0 : i32
    %dma_wait3A_19 = arith.constant 0 : i32
    %dma_wait3A_20 = tpu.memref_slice %arg13[%dma_wait3A_18, %dma_wait3A_19] : memref<10240x128xf32, #tpu.memory_space<vmem_shared>> -> memref<10240x128xf32, #tpu.memory_space<vmem_shared>>
    tpu.wait_indirect_dma semaphore(%arg11 : memref<!tpu.dma_semaphore, #tpu.memory_space<semaphore_mem>>) src(%arg9 : memref<128x128xf32, #tpu.memory_space<vmem>>) dst(%dma_wait3A_20 : memref<10240x128xf32, #tpu.memory_space<vmem_shared>>)
    %dma_wait3A_21 = arith.constant 0 : i32
    %dma_wait3A_22 = arith.constant 0 : i32
    %dma_wait3A_23 = tpu.memref_slice %arg7[%dma_wait3A_21, %dma_wait3A_22] : memref<80x128xi32, #tpu.memory_space<vmem>> -> memref<1x128xi32, #tpu.memory_space<vmem>>
    %dma_wait3A_24 = tpu.memref_squeeze %dma_wait3A_23 : memref<1x128xi32, #tpu.memory_space<vmem>> -> memref<128xi32, #tpu.memory_space<vmem>>
    %dma_wait3A_25 = arith.constant 0 : i32
    %dma_wait3A_26 = arith.constant 0 : i32
    %dma_wait3A_27 = tpu.memref_slice %arg13[%dma_wait3A_25, %dma_wait3A_26] : memref<10240x128xf32, #tpu.memory_space<vmem_shared>> -> memref<10240x128xf32, #tpu.memory_space<vmem_shared>>
    tpu.wait_indirect_dma semaphore(%arg12 : memref<!tpu.dma_semaphore, #tpu.memory_space<semaphore_mem>>) src(%arg9 : memref<128x128xf32, #tpu.memory_space<vmem>>) dst(%dma_wait3A_27 : memref<10240x128xf32, #tpu.memory_space<vmem_shared>>)
    %barrier3A_28 = arith.constant 0 : index
    tpu.barrier barrier_id(%barrier3A_28)
    %run_scoped3A_29 = arith.constant 0 : i32
    "tpu.region"() ({
      %run_scoped3A_54 = tpu.sem_alloc : memref<!tpu.dma_semaphore, #tpu.memory_space<semaphore_mem>>
      %dma_start3A = arith.constant 0 : i32
      %dma_start3A_55 = tpu.memref_slice %arg8[%run_scoped3A_29, %dma_start3A] : memref<8x128xi32, #tpu.memory_space<vmem>> -> memref<1x128xi32, #tpu.memory_space<vmem>>
      %dma_start3A_56 = tpu.memref_squeeze %dma_start3A_55 : memref<1x128xi32, #tpu.memory_space<vmem>> -> memref<128xi32, #tpu.memory_space<vmem>>
      %dma_start3A_57 = arith.constant 0 : i32
      %dma_start3A_58 = arith.constant 0 : i32
      %dma_start3A_59 = tpu.memref_slice %arg13[%dma_start3A_57, %dma_start3A_58] : memref<10240x128xf32, #tpu.memory_space<vmem_shared>> -> memref<10240x128xf32, #tpu.memory_space<vmem_shared>>
      tpu.enqueue_indirect_dma source(%dma_start3A_59 : memref<10240x128xf32, #tpu.memory_space<vmem_shared>>) target(%arg10 : memref<128x128xf32, #tpu.memory_space<vmem>>) offsets(%dma_start3A_56 : memref<128xi32, #tpu.memory_space<vmem>>) semaphore(%run_scoped3A_54 : memref<!tpu.dma_semaphore, #tpu.memory_space<semaphore_mem>>)
      %dma_wait3A_60 = arith.constant 0 : i32
      %dma_wait3A_61 = tpu.memref_slice %arg8[%run_scoped3A_29, %dma_wait3A_60] : memref<8x128xi32, #tpu.memory_space<vmem>> -> memref<1x128xi32, #tpu.memory_space<vmem>>
      %dma_wait3A_62 = tpu.memref_squeeze %dma_wait3A_61 : memref<1x128xi32, #tpu.memory_space<vmem>> -> memref<128xi32, #tpu.memory_space<vmem>>
      %dma_wait3A_63 = arith.constant 0 : i32
      %dma_wait3A_64 = arith.constant 0 : i32
      %dma_wait3A_65 = tpu.memref_slice %arg13[%dma_wait3A_63, %dma_wait3A_64] : memref<10240x128xf32, #tpu.memory_space<vmem_shared>> -> memref<10240x128xf32, #tpu.memory_space<vmem_shared>>
      tpu.wait_indirect_dma semaphore(%run_scoped3A_54 : memref<!tpu.dma_semaphore, #tpu.memory_space<semaphore_mem>>) src(%dma_wait3A_65 : memref<10240x128xf32, #tpu.memory_space<vmem_shared>>) dst(%arg10 : memref<128x128xf32, #tpu.memory_space<vmem>>)
      tpu.yield
    }) : () -> ()
    %mul3A_30 = arith.constant 640 : i32
    %mul3A_31 = arith.muli %arg1, %mul3A_30 : i32
    %add3A_32 = arith.constant 0 : i32
    %add3A_33 = arith.addi %mul3A_31, %add3A_32 : i32
    "tpu.region"() ({
      %run_scoped3A_54 = tpu.sem_alloc : memref<!tpu.dma_semaphore, #tpu.memory_space<semaphore_mem>>
      %dma_start3A = arith.constant 0 : i32
      %dma_start3A_55 = tpu.memref_slice %arg6[%arg0, %add3A_33, %dma_start3A] : memref<2x10240x128xf32, #tpu.memory_space<hbm>> -> memref<1x128x128xf32, #tpu.memory_space<hbm>>
      %dma_start3A_56 = tpu.memref_squeeze %dma_start3A_55 : memref<1x128x128xf32, #tpu.memory_space<hbm>> -> memref<128x128xf32, #tpu.memory_space<hbm>>
      %dma_start3A_57 = arith.constant 0 : i32
      %dma_start3A_58 = tpu.memref_slice %arg6[%arg0, %add3A_33, %dma_start3A_57] : memref<2x10240x128xf32, #tpu.memory_space<hbm>> -> memref<1x128x128xf32, #tpu.memory_space<hbm>>
      %dma_start3A_59 = tpu.memref_squeeze %dma_start3A_58 : memref<1x128x128xf32, #tpu.memory_space<hbm>> -> memref<128x128xf32, #tpu.memory_space<hbm>>
      tpu.enqueue_dma source(%arg10 : memref<128x128xf32, #tpu.memory_space<vmem>>) target(%dma_start3A_59 : memref<128x128xf32, #tpu.memory_space<hbm>>) target_semaphore(%run_scoped3A_54 : memref<!tpu.dma_semaphore, #tpu.memory_space<semaphore_mem>>)
      %dma_wait3A_60 = arith.constant 0 : i32
      %dma_wait3A_61 = tpu.memref_slice %arg6[%arg0, %add3A_33, %dma_wait3A_60] : memref<2x10240x128xf32, #tpu.memory_space<hbm>> -> memref<1x128x128xf32, #tpu.memory_space<hbm>>
      %dma_wait3A_62 = tpu.memref_squeeze %dma_wait3A_61 : memref<1x128x128xf32, #tpu.memory_space<hbm>> -> memref<128x128xf32, #tpu.memory_space<hbm>>
      %dma_wait3A_63 = arith.constant 0 : i32
      %dma_wait3A_64 = tpu.memref_slice %arg6[%arg0, %add3A_33, %dma_wait3A_63] : memref<2x10240x128xf32, #tpu.memory_space<hbm>> -> memref<1x128x128xf32, #tpu.memory_space<hbm>>
      %dma_wait3A_65 = tpu.memref_squeeze %dma_wait3A_64 : memref<1x128x128xf32, #tpu.memory_space<hbm>> -> memref<128x128xf32, #tpu.memory_space<hbm>>
      tpu.wait_dma2 semaphore(%run_scoped3A_54 : memref<!tpu.dma_semaphore, #tpu.memory_space<semaphore_mem>>) src(%arg10 : memref<128x128xf32, #tpu.memory_space<vmem>>) dst(%dma_wait3A_65 : memref<128x128xf32, #tpu.memory_space<hbm>>)
      tpu.yield
    }) : () -> ()
    %run_scoped3A_34 = arith.constant 1 : i32
    "tpu.region"() ({
      %run_scoped3A_54 = tpu.sem_alloc : memref<!tpu.dma_semaphore, #tpu.memory_space<semaphore_mem>>
      %dma_start3A = arith.constant 0 : i32
      %dma_start3A_55 = tpu.memref_slice %arg8[%run_scoped3A_34, %dma_start3A] : memref<8x128xi32, #tpu.memory_space<vmem>> -> memref<1x128xi32, #tpu.memory_space<vmem>>
      %dma_start3A_56 = tpu.memref_squeeze %dma_start3A_55 : memref<1x128xi32, #tpu.memory_space<vmem>> -> memref<128xi32, #tpu.memory_space<vmem>>
      %dma_start3A_57 = arith.constant 0 : i32
      %dma_start3A_58 = arith.constant 0 : i32
      %dma_start3A_59 = tpu.memref_slice %arg13[%dma_start3A_57, %dma_start3A_58] : memref<10240x128xf32, #tpu.memory_space<vmem_shared>> -> memref<10240x128xf32, #tpu.memory_space<vmem_shared>>
      tpu.enqueue_indirect_dma source(%dma_start3A_59 : memref<10240x128xf32, #tpu.memory_space<vmem_shared>>) target(%arg10 : memref<128x128xf32, #tpu.memory_space<vmem>>) offsets(%dma_start3A_56 : memref<128xi32, #tpu.memory_space<vmem>>) semaphore(%run_scoped3A_54 : memref<!tpu.dma_semaphore, #tpu.memory_space<semaphore_mem>>)
      %dma_wait3A_60 = arith.constant 0 : i32
      %dma_wait3A_61 = tpu.memref_slice %arg8[%run_scoped3A_34, %dma_wait3A_60] : memref<8x128xi32, #tpu.memory_space<vmem>> -> memref<1x128xi32, #tpu.memory_space<vmem>>
      %dma_wait3A_62 = tpu.memref_squeeze %dma_wait3A_61 : memref<1x128xi32, #tpu.memory_space<vmem>> -> memref<128xi32, #tpu.memory_space<vmem>>
      %dma_wait3A_63 = arith.constant 0 : i32
      %dma_wait3A_64 = arith.constant 0 : i32
      %dma_wait3A_65 = tpu.memref_slice %arg13[%dma_wait3A_63, %dma_wait3A_64] : memref<10240x128xf32, #tpu.memory_space<vmem_shared>> -> memref<10240x128xf32, #tpu.memory_space<vmem_shared>>
      tpu.wait_indirect_dma semaphore(%run_scoped3A_54 : memref<!tpu.dma_semaphore, #tpu.memory_space<semaphore_mem>>) src(%dma_wait3A_65 : memref<10240x128xf32, #tpu.memory_space<vmem_shared>>) dst(%arg10 : memref<128x128xf32, #tpu.memory_space<vmem>>)
      tpu.yield
    }) : () -> ()
    %mul3A_35 = arith.constant 640 : i32
    %mul3A_36 = arith.muli %arg1, %mul3A_35 : i32
    %add3A_37 = arith.constant 128 : i32
    %add3A_38 = arith.addi %mul3A_36, %add3A_37 : i32
    "tpu.region"() ({
      %run_scoped3A_54 = tpu.sem_alloc : memref<!tpu.dma_semaphore, #tpu.memory_space<semaphore_mem>>
      %dma_start3A = arith.constant 0 : i32
      %dma_start3A_55 = tpu.memref_slice %arg6[%arg0, %add3A_38, %dma_start3A] : memref<2x10240x128xf32, #tpu.memory_space<hbm>> -> memref<1x128x128xf32, #tpu.memory_space<hbm>>
      %dma_start3A_56 = tpu.memref_squeeze %dma_start3A_55 : memref<1x128x128xf32, #tpu.memory_space<hbm>> -> memref<128x128xf32, #tpu.memory_space<hbm>>
      %dma_start3A_57 = arith.constant 0 : i32
      %dma_start3A_58 = tpu.memref_slice %arg6[%arg0, %add3A_38, %dma_start3A_57] : memref<2x10240x128xf32, #tpu.memory_space<hbm>> -> memref<1x128x128xf32, #tpu.memory_space<hbm>>
      %dma_start3A_59 = tpu.memref_squeeze %dma_start3A_58 : memref<1x128x128xf32, #tpu.memory_space<hbm>> -> memref<128x128xf32, #tpu.memory_space<hbm>>
      tpu.enqueue_dma source(%arg10 : memref<128x128xf32, #tpu.memory_space<vmem>>) target(%dma_start3A_59 : memref<128x128xf32, #tpu.memory_space<hbm>>) target_semaphore(%run_scoped3A_54 : memref<!tpu.dma_semaphore, #tpu.memory_space<semaphore_mem>>)
      %dma_wait3A_60 = arith.constant 0 : i32
      %dma_wait3A_61 = tpu.memref_slice %arg6[%arg0, %add3A_38, %dma_wait3A_60] : memref<2x10240x128xf32, #tpu.memory_space<hbm>> -> memref<1x128x128xf32, #tpu.memory_space<hbm>>
      %dma_wait3A_62 = tpu.memref_squeeze %dma_wait3A_61 : memref<1x128x128xf32, #tpu.memory_space<hbm>> -> memref<128x128xf32, #tpu.memory_space<hbm>>
      %dma_wait3A_63 = arith.constant 0 : i32
      %dma_wait3A_64 = tpu.memref_slice %arg6[%arg0, %add3A_38, %dma_wait3A_63] : memref<2x10240x128xf32, #tpu.memory_space<hbm>> -> memref<1x128x128xf32, #tpu.memory_space<hbm>>
      %dma_wait3A_65 = tpu.memref_squeeze %dma_wait3A_64 : memref<1x128x128xf32, #tpu.memory_space<hbm>> -> memref<128x128xf32, #tpu.memory_space<hbm>>
      tpu.wait_dma2 semaphore(%run_scoped3A_54 : memref<!tpu.dma_semaphore, #tpu.memory_space<semaphore_mem>>) src(%arg10 : memref<128x128xf32, #tpu.memory_space<vmem>>) dst(%dma_wait3A_65 : memref<128x128xf32, #tpu.memory_space<hbm>>)
      tpu.yield
    }) : () -> ()
    %run_scoped3A_39 = arith.constant 2 : i32
    "tpu.region"() ({
      %run_scoped3A_54 = tpu.sem_alloc : memref<!tpu.dma_semaphore, #tpu.memory_space<semaphore_mem>>
      %dma_start3A = arith.constant 0 : i32
      %dma_start3A_55 = tpu.memref_slice %arg8[%run_scoped3A_39, %dma_start3A] : memref<8x128xi32, #tpu.memory_space<vmem>> -> memref<1x128xi32, #tpu.memory_space<vmem>>
      %dma_start3A_56 = tpu.memref_squeeze %dma_start3A_55 : memref<1x128xi32, #tpu.memory_space<vmem>> -> memref<128xi32, #tpu.memory_space<vmem>>
      %dma_start3A_57 = arith.constant 0 : i32
      %dma_start3A_58 = arith.constant 0 : i32
      %dma_start3A_59 = tpu.memref_slice %arg13[%dma_start3A_57, %dma_start3A_58] : memref<10240x128xf32, #tpu.memory_space<vmem_shared>> -> memref<10240x128xf32, #tpu.memory_space<vmem_shared>>
      tpu.enqueue_indirect_dma source(%dma_start3A_59 : memref<10240x128xf32, #tpu.memory_space<vmem_shared>>) target(%arg10 : memref<128x128xf32, #tpu.memory_space<vmem>>) offsets(%dma_start3A_56 : memref<128xi32, #tpu.memory_space<vmem>>) semaphore(%run_scoped3A_54 : memref<!tpu.dma_semaphore, #tpu.memory_space<semaphore_mem>>)
      %dma_wait3A_60 = arith.constant 0 : i32
      %dma_wait3A_61 = tpu.memref_slice %arg8[%run_scoped3A_39, %dma_wait3A_60] : memref<8x128xi32, #tpu.memory_space<vmem>> -> memref<1x128xi32, #tpu.memory_space<vmem>>
      %dma_wait3A_62 = tpu.memref_squeeze %dma_wait3A_61 : memref<1x128xi32, #tpu.memory_space<vmem>> -> memref<128xi32, #tpu.memory_space<vmem>>
      %dma_wait3A_63 = arith.constant 0 : i32
      %dma_wait3A_64 = arith.constant 0 : i32
      %dma_wait3A_65 = tpu.memref_slice %arg13[%dma_wait3A_63, %dma_wait3A_64] : memref<10240x128xf32, #tpu.memory_space<vmem_shared>> -> memref<10240x128xf32, #tpu.memory_space<vmem_shared>>
      tpu.wait_indirect_dma semaphore(%run_scoped3A_54 : memref<!tpu.dma_semaphore, #tpu.memory_space<semaphore_mem>>) src(%dma_wait3A_65 : memref<10240x128xf32, #tpu.memory_space<vmem_shared>>) dst(%arg10 : memref<128x128xf32, #tpu.memory_space<vmem>>)
      tpu.yield
    }) : () -> ()
    %mul3A_40 = arith.constant 640 : i32
    %mul3A_41 = arith.muli %arg1, %mul3A_40 : i32
    %add3A_42 = arith.constant 256 : i32
    %add3A_43 = arith.addi %mul3A_41, %add3A_42 : i32
    "tpu.region"() ({
      %run_scoped3A_54 = tpu.sem_alloc : memref<!tpu.dma_semaphore, #tpu.memory_space<semaphore_mem>>
      %dma_start3A = arith.constant 0 : i32
      %dma_start3A_55 = tpu.memref_slice %arg6[%arg0, %add3A_43, %dma_start3A] : memref<2x10240x128xf32, #tpu.memory_space<hbm>> -> memref<1x128x128xf32, #tpu.memory_space<hbm>>
      %dma_start3A_56 = tpu.memref_squeeze %dma_start3A_55 : memref<1x128x128xf32, #tpu.memory_space<hbm>> -> memref<128x128xf32, #tpu.memory_space<hbm>>
      %dma_start3A_57 = arith.constant 0 : i32
      %dma_start3A_58 = tpu.memref_slice %arg6[%arg0, %add3A_43, %dma_start3A_57] : memref<2x10240x128xf32, #tpu.memory_space<hbm>> -> memref<1x128x128xf32, #tpu.memory_space<hbm>>
      %dma_start3A_59 = tpu.memref_squeeze %dma_start3A_58 : memref<1x128x128xf32, #tpu.memory_space<hbm>> -> memref<128x128xf32, #tpu.memory_space<hbm>>
      tpu.enqueue_dma source(%arg10 : memref<128x128xf32, #tpu.memory_space<vmem>>) target(%dma_start3A_59 : memref<128x128xf32, #tpu.memory_space<hbm>>) target_semaphore(%run_scoped3A_54 : memref<!tpu.dma_semaphore, #tpu.memory_space<semaphore_mem>>)
      %dma_wait3A_60 = arith.constant 0 : i32
      %dma_wait3A_61 = tpu.memref_slice %arg6[%arg0, %add3A_43, %dma_wait3A_60] : memref<2x10240x128xf32, #tpu.memory_space<hbm>> -> memref<1x128x128xf32, #tpu.memory_space<hbm>>
      %dma_wait3A_62 = tpu.memref_squeeze %dma_wait3A_61 : memref<1x128x128xf32, #tpu.memory_space<hbm>> -> memref<128x128xf32, #tpu.memory_space<hbm>>
      %dma_wait3A_63 = arith.constant 0 : i32
      %dma_wait3A_64 = tpu.memref_slice %arg6[%arg0, %add3A_43, %dma_wait3A_63] : memref<2x10240x128xf32, #tpu.memory_space<hbm>> -> memref<1x128x128xf32, #tpu.memory_space<hbm>>
      %dma_wait3A_65 = tpu.memref_squeeze %dma_wait3A_64 : memref<1x128x128xf32, #tpu.memory_space<hbm>> -> memref<128x128xf32, #tpu.memory_space<hbm>>
      tpu.wait_dma2 semaphore(%run_scoped3A_54 : memref<!tpu.dma_semaphore, #tpu.memory_space<semaphore_mem>>) src(%arg10 : memref<128x128xf32, #tpu.memory_space<vmem>>) dst(%dma_wait3A_65 : memref<128x128xf32, #tpu.memory_space<hbm>>)
      tpu.yield
    }) : () -> ()
    %run_scoped3A_44 = arith.constant 3 : i32
    "tpu.region"() ({
      %run_scoped3A_54 = tpu.sem_alloc : memref<!tpu.dma_semaphore, #tpu.memory_space<semaphore_mem>>
      %dma_start3A = arith.constant 0 : i32
      %dma_start3A_55 = tpu.memref_slice %arg8[%run_scoped3A_44, %dma_start3A] : memref<8x128xi32, #tpu.memory_space<vmem>> -> memref<1x128xi32, #tpu.memory_space<vmem>>
      %dma_start3A_56 = tpu.memref_squeeze %dma_start3A_55 : memref<1x128xi32, #tpu.memory_space<vmem>> -> memref<128xi32, #tpu.memory_space<vmem>>
      %dma_start3A_57 = arith.constant 0 : i32
      %dma_start3A_58 = arith.constant 0 : i32
      %dma_start3A_59 = tpu.memref_slice %arg13[%dma_start3A_57, %dma_start3A_58] : memref<10240x128xf32, #tpu.memory_space<vmem_shared>> -> memref<10240x128xf32, #tpu.memory_space<vmem_shared>>
      tpu.enqueue_indirect_dma source(%dma_start3A_59 : memref<10240x128xf32, #tpu.memory_space<vmem_shared>>) target(%arg10 : memref<128x128xf32, #tpu.memory_space<vmem>>) offsets(%dma_start3A_56 : memref<128xi32, #tpu.memory_space<vmem>>) semaphore(%run_scoped3A_54 : memref<!tpu.dma_semaphore, #tpu.memory_space<semaphore_mem>>)
      %dma_wait3A_60 = arith.constant 0 : i32
      %dma_wait3A_61 = tpu.memref_slice %arg8[%run_scoped3A_44, %dma_wait3A_60] : memref<8x128xi32, #tpu.memory_space<vmem>> -> memref<1x128xi32, #tpu.memory_space<vmem>>
      %dma_wait3A_62 = tpu.memref_squeeze %dma_wait3A_61 : memref<1x128xi32, #tpu.memory_space<vmem>> -> memref<128xi32, #tpu.memory_space<vmem>>
      %dma_wait3A_63 = arith.constant 0 : i32
      %dma_wait3A_64 = arith.constant 0 : i32
      %dma_wait3A_65 = tpu.memref_slice %arg13[%dma_wait3A_63, %dma_wait3A_64] : memref<10240x128xf32, #tpu.memory_space<vmem_shared>> -> memref<10240x128xf32, #tpu.memory_space<vmem_shared>>
      tpu.wait_indirect_dma semaphore(%run_scoped3A_54 : memref<!tpu.dma_semaphore, #tpu.memory_space<semaphore_mem>>) src(%dma_wait3A_65 : memref<10240x128xf32, #tpu.memory_space<vmem_shared>>) dst(%arg10 : memref<128x128xf32, #tpu.memory_space<vmem>>)
      tpu.yield
    }) : () -> ()
    %mul3A_45 = arith.constant 640 : i32
    %mul3A_46 = arith.muli %arg1, %mul3A_45 : i32
    %add3A_47 = arith.constant 384 : i32
    %add3A_48 = arith.addi %mul3A_46, %add3A_47 : i32
    "tpu.region"() ({
      %run_scoped3A_54 = tpu.sem_alloc : memref<!tpu.dma_semaphore, #tpu.memory_space<semaphore_mem>>
      %dma_start3A = arith.constant 0 : i32
      %dma_start3A_55 = tpu.memref_slice %arg6[%arg0, %add3A_48, %dma_start3A] : memref<2x10240x128xf32, #tpu.memory_space<hbm>> -> memref<1x128x128xf32, #tpu.memory_space<hbm>>
      %dma_start3A_56 = tpu.memref_squeeze %dma_start3A_55 : memref<1x128x128xf32, #tpu.memory_space<hbm>> -> memref<128x128xf32, #tpu.memory_space<hbm>>
      %dma_start3A_57 = arith.constant 0 : i32
      %dma_start3A_58 = tpu.memref_slice %arg6[%arg0, %add3A_48, %dma_start3A_57] : memref<2x10240x128xf32, #tpu.memory_space<hbm>> -> memref<1x128x128xf32, #tpu.memory_space<hbm>>
      %dma_start3A_59 = tpu.memref_squeeze %dma_start3A_58 : memref<1x128x128xf32, #tpu.memory_space<hbm>> -> memref<128x128xf32, #tpu.memory_space<hbm>>
      tpu.enqueue_dma source(%arg10 : memref<128x128xf32, #tpu.memory_space<vmem>>) target(%dma_start3A_59 : memref<128x128xf32, #tpu.memory_space<hbm>>) target_semaphore(%run_scoped3A_54 : memref<!tpu.dma_semaphore, #tpu.memory_space<semaphore_mem>>)
      %dma_wait3A_60 = arith.constant 0 : i32
      %dma_wait3A_61 = tpu.memref_slice %arg6[%arg0, %add3A_48, %dma_wait3A_60] : memref<2x10240x128xf32, #tpu.memory_space<hbm>> -> memref<1x128x128xf32, #tpu.memory_space<hbm>>
      %dma_wait3A_62 = tpu.memref_squeeze %dma_wait3A_61 : memref<1x128x128xf32, #tpu.memory_space<hbm>> -> memref<128x128xf32, #tpu.memory_space<hbm>>
      %dma_wait3A_63 = arith.constant 0 : i32
      %dma_wait3A_64 = tpu.memref_slice %arg6[%arg0, %add3A_48, %dma_wait3A_63] : memref<2x10240x128xf32, #tpu.memory_space<hbm>> -> memref<1x128x128xf32, #tpu.memory_space<hbm>>
      %dma_wait3A_65 = tpu.memref_squeeze %dma_wait3A_64 : memref<1x128x128xf32, #tpu.memory_space<hbm>> -> memref<128x128xf32, #tpu.memory_space<hbm>>
      tpu.wait_dma2 semaphore(%run_scoped3A_54 : memref<!tpu.dma_semaphore, #tpu.memory_space<semaphore_mem>>) src(%arg10 : memref<128x128xf32, #tpu.memory_space<vmem>>) dst(%dma_wait3A_65 : memref<128x128xf32, #tpu.memory_space<hbm>>)
      tpu.yield
    }) : () -> ()
    %run_scoped3A_49 = arith.constant 4 : i32
    "tpu.region"() ({
      %run_scoped3A_54 = tpu.sem_alloc : memref<!tpu.dma_semaphore, #tpu.memory_space<semaphore_mem>>
      %dma_start3A = arith.constant 0 : i32
      %dma_start3A_55 = tpu.memref_slice %arg8[%run_scoped3A_49, %dma_start3A] : memref<8x128xi32, #tpu.memory_space<vmem>> -> memref<1x128xi32, #tpu.memory_space<vmem>>
      %dma_start3A_56 = tpu.memref_squeeze %dma_start3A_55 : memref<1x128xi32, #tpu.memory_space<vmem>> -> memref<128xi32, #tpu.memory_space<vmem>>
      %dma_start3A_57 = arith.constant 0 : i32
      %dma_start3A_58 = arith.constant 0 : i32
      %dma_start3A_59 = tpu.memref_slice %arg13[%dma_start3A_57, %dma_start3A_58] : memref<10240x128xf32, #tpu.memory_space<vmem_shared>> -> memref<10240x128xf32, #tpu.memory_space<vmem_shared>>
      tpu.enqueue_indirect_dma source(%dma_start3A_59 : memref<10240x128xf32, #tpu.memory_space<vmem_shared>>) target(%arg10 : memref<128x128xf32, #tpu.memory_space<vmem>>) offsets(%dma_start3A_56 : memref<128xi32, #tpu.memory_space<vmem>>) semaphore(%run_scoped3A_54 : memref<!tpu.dma_semaphore, #tpu.memory_space<semaphore_mem>>)
      %dma_wait3A_60 = arith.constant 0 : i32
      %dma_wait3A_61 = tpu.memref_slice %arg8[%run_scoped3A_49, %dma_wait3A_60] : memref<8x128xi32, #tpu.memory_space<vmem>> -> memref<1x128xi32, #tpu.memory_space<vmem>>
      %dma_wait3A_62 = tpu.memref_squeeze %dma_wait3A_61 : memref<1x128xi32, #tpu.memory_space<vmem>> -> memref<128xi32, #tpu.memory_space<vmem>>
      %dma_wait3A_63 = arith.constant 0 : i32
      %dma_wait3A_64 = arith.constant 0 : i32
      %dma_wait3A_65 = tpu.memref_slice %arg13[%dma_wait3A_63, %dma_wait3A_64] : memref<10240x128xf32, #tpu.memory_space<vmem_shared>> -> memref<10240x128xf32, #tpu.memory_space<vmem_shared>>
      tpu.wait_indirect_dma semaphore(%run_scoped3A_54 : memref<!tpu.dma_semaphore, #tpu.memory_space<semaphore_mem>>) src(%dma_wait3A_65 : memref<10240x128xf32, #tpu.memory_space<vmem_shared>>) dst(%arg10 : memref<128x128xf32, #tpu.memory_space<vmem>>)
      tpu.yield
    }) : () -> ()
    %mul3A_50 = arith.constant 640 : i32
    %mul3A_51 = arith.muli %arg1, %mul3A_50 : i32
    %add3A_52 = arith.constant 512 : i32
    %add3A_53 = arith.addi %mul3A_51, %add3A_52 : i32
    "tpu.region"() ({
      %run_scoped3A_54 = tpu.sem_alloc : memref<!tpu.dma_semaphore, #tpu.memory_space<semaphore_mem>>
      %dma_start3A = arith.constant 0 : i32
      %dma_start3A_55 = tpu.memref_slice %arg6[%arg0, %add3A_53, %dma_start3A] : memref<2x10240x128xf32, #tpu.memory_space<hbm>> -> memref<1x128x128xf32, #tpu.memory_space<hbm>>
      %dma_start3A_56 = tpu.memref_squeeze %dma_start3A_55 : memref<1x128x128xf32, #tpu.memory_space<hbm>> -> memref<128x128xf32, #tpu.memory_space<hbm>>
      %dma_start3A_57 = arith.constant 0 : i32
      %dma_start3A_58 = tpu.memref_slice %arg6[%arg0, %add3A_53, %dma_start3A_57] : memref<2x10240x128xf32, #tpu.memory_space<hbm>> -> memref<1x128x128xf32, #tpu.memory_space<hbm>>
      %dma_start3A_59 = tpu.memref_squeeze %dma_start3A_58 : memref<1x128x128xf32, #tpu.memory_space<hbm>> -> memref<128x128xf32, #tpu.memory_space<hbm>>
      tpu.enqueue_dma source(%arg10 : memref<128x128xf32, #tpu.memory_space<vmem>>) target(%dma_start3A_59 : memref<128x128xf32, #tpu.memory_space<hbm>>) target_semaphore(%run_scoped3A_54 : memref<!tpu.dma_semaphore, #tpu.memory_space<semaphore_mem>>)
      %dma_wait3A_60 = arith.constant 0 : i32
      %dma_wait3A_61 = tpu.memref_slice %arg6[%arg0, %add3A_53, %dma_wait3A_60] : memref<2x10240x128xf32, #tpu.memory_space<hbm>> -> memref<1x128x128xf32, #tpu.memory_space<hbm>>
      %dma_wait3A_62 = tpu.memref_squeeze %dma_wait3A_61 : memref<1x128x128xf32, #tpu.memory_space<hbm>> -> memref<128x128xf32, #tpu.memory_space<hbm>>
      %dma_wait3A_63 = arith.constant 0 : i32
      %dma_wait3A_64 = tpu.memref_slice %arg6[%arg0, %add3A_53, %dma_wait3A_63] : memref<2x10240x128xf32, #tpu.memory_space<hbm>> -> memref<1x128x128xf32, #tpu.memory_space<hbm>>
      %dma_wait3A_65 = tpu.memref_squeeze %dma_wait3A_64 : memref<1x128x128xf32, #tpu.memory_space<hbm>> -> memref<128x128xf32, #tpu.memory_space<hbm>>
      tpu.wait_dma2 semaphore(%run_scoped3A_54 : memref<!tpu.dma_semaphore, #tpu.memory_space<semaphore_mem>>) src(%arg10 : memref<128x128xf32, #tpu.memory_space<vmem>>) dst(%dma_wait3A_65 : memref<128x128xf32, #tpu.memory_space<hbm>>)
      tpu.yield
    }) : () -> ()
    return
  }
}

#map = affine_map<(d0, d1) -> (0, 0)>
#map1 = affine_map<(d0, d1) -> (0, 0, 0)>
module attributes {stable_mosaic.version = 14 : i64} {
  func.func @_agg_body(%arg0: i32, %arg1: i32, %arg2: memref<10240x128xf32, #tpu.memory_space<hbm>>, %arg3: memref<2560x128xi32, #tpu.memory_space<hbm>>, %arg4: memref<2560x128xi32, #tpu.memory_space<hbm>>, %arg5: memref<128x128xi32, #tpu.memory_space<hbm>>, %arg6: memref<128x128xf32, #tpu.memory_space<hbm>>, %arg7: memref<2x10240x128xf32, #tpu.memory_space<hbm>>, %arg8: memref<2x128x128xf32, #tpu.memory_space<vmem>>, %arg9: memref<128xi32, #tpu.memory_space<vmem>>, %arg10: memref<128xi32, #tpu.memory_space<vmem>>, %arg11: memref<80x128xi32, #tpu.memory_space<vmem>>, %arg12: memref<8x128xi32, #tpu.memory_space<vmem>>, %arg13: memref<!tpu.dma_semaphore, #tpu.memory_space<semaphore_mem>>, %arg14: memref<!tpu.dma_semaphore, #tpu.memory_space<semaphore_mem>>, %arg15: memref<!tpu.dma_semaphore, #tpu.memory_space<semaphore_mem>>, %arg16: memref<!tpu.dma_semaphore, #tpu.memory_space<semaphore_mem>>, %arg17: memref<10240x128xf32, #tpu.memory_space<vmem_shared>>) attributes {dimension_semantics = [#tpu.dimension_semantics<core_parallel>, #tpu.dimension_semantics<subcore_parallel>], iteration_bounds = array<i64: 2, 16>, scalar_prefetch = 0 : i64, scratch_operands = 10 : i64, tpu.core_type = #tpu.core_type<sc_vector_subcore>, window_params = [{transform_indices = #map}, {transform_indices = #map}, {transform_indices = #map}, {transform_indices = #map}, {transform_indices = #map}, {transform_indices = #map1}]} {
    %run_scoped3A = arith.constant 0 : i32
    "tpu.region"() ({
      %run_scoped3A_72 = tpu.sem_alloc : memref<!tpu.dma_semaphore, #tpu.memory_space<semaphore_mem>>
      %dma_start3A_73 = arith.constant 0 : i32
      %dma_start3A_74 = arith.constant 0 : i32
      %dma_start3A_75 = tpu.memref_slice %arg8[%run_scoped3A, %dma_start3A_73, %dma_start3A_74] : memref<2x128x128xf32, #tpu.memory_space<vmem>> -> memref<1x128x128xf32, #tpu.memory_space<vmem>>
      %dma_start3A_76 = tpu.memref_squeeze %dma_start3A_75 : memref<1x128x128xf32, #tpu.memory_space<vmem>> -> memref<128x128xf32, #tpu.memory_space<vmem>>
      %dma_start3A_77 = arith.constant 0 : i32
      %dma_start3A_78 = arith.constant 0 : i32
      %dma_start3A_79 = tpu.memref_slice %arg8[%run_scoped3A, %dma_start3A_77, %dma_start3A_78] : memref<2x128x128xf32, #tpu.memory_space<vmem>> -> memref<1x128x128xf32, #tpu.memory_space<vmem>>
      %dma_start3A_80 = tpu.memref_squeeze %dma_start3A_79 : memref<1x128x128xf32, #tpu.memory_space<vmem>> -> memref<128x128xf32, #tpu.memory_space<vmem>>
      tpu.enqueue_dma source(%arg6 : memref<128x128xf32, #tpu.memory_space<hbm>>) target(%dma_start3A_80 : memref<128x128xf32, #tpu.memory_space<vmem>>) target_semaphore(%run_scoped3A_72 : memref<!tpu.dma_semaphore, #tpu.memory_space<semaphore_mem>>)
      %dma_wait3A = arith.constant 0 : i32
      %dma_wait3A_81 = arith.constant 0 : i32
      %dma_wait3A_82 = tpu.memref_slice %arg8[%run_scoped3A, %dma_wait3A, %dma_wait3A_81] : memref<2x128x128xf32, #tpu.memory_space<vmem>> -> memref<1x128x128xf32, #tpu.memory_space<vmem>>
      %dma_wait3A_83 = tpu.memref_squeeze %dma_wait3A_82 : memref<1x128x128xf32, #tpu.memory_space<vmem>> -> memref<128x128xf32, #tpu.memory_space<vmem>>
      %dma_wait3A_84 = arith.constant 0 : i32
      %dma_wait3A_85 = arith.constant 0 : i32
      %dma_wait3A_86 = tpu.memref_slice %arg8[%run_scoped3A, %dma_wait3A_84, %dma_wait3A_85] : memref<2x128x128xf32, #tpu.memory_space<vmem>> -> memref<1x128x128xf32, #tpu.memory_space<vmem>>
      %dma_wait3A_87 = tpu.memref_squeeze %dma_wait3A_86 : memref<1x128x128xf32, #tpu.memory_space<vmem>> -> memref<128x128xf32, #tpu.memory_space<vmem>>
      tpu.wait_dma2 semaphore(%run_scoped3A_72 : memref<!tpu.dma_semaphore, #tpu.memory_space<semaphore_mem>>) src(%arg6 : memref<128x128xf32, #tpu.memory_space<hbm>>) dst(%dma_wait3A_87 : memref<128x128xf32, #tpu.memory_space<vmem>>)
      tpu.yield
    }) : () -> ()
    %mul3A = arith.constant 8 : i32
    %mul3A_0 = arith.muli %arg1, %mul3A : i32
    "tpu.region"() ({
      %run_scoped3A_72 = tpu.sem_alloc : memref<!tpu.dma_semaphore, #tpu.memory_space<semaphore_mem>>
      %dma_start3A_73 = arith.constant 0 : i32
      %dma_start3A_74 = tpu.memref_slice %arg5[%mul3A_0, %dma_start3A_73] : memref<128x128xi32, #tpu.memory_space<hbm>> -> memref<8x128xi32, #tpu.memory_space<hbm>>
      %dma_start3A_75 = arith.constant 0 : i32
      %dma_start3A_76 = tpu.memref_slice %arg5[%mul3A_0, %dma_start3A_75] : memref<128x128xi32, #tpu.memory_space<hbm>> -> memref<8x128xi32, #tpu.memory_space<hbm>>
      tpu.enqueue_dma source(%dma_start3A_76 : memref<8x128xi32, #tpu.memory_space<hbm>>) target(%arg12 : memref<8x128xi32, #tpu.memory_space<vmem>>) target_semaphore(%run_scoped3A_72 : memref<!tpu.dma_semaphore, #tpu.memory_space<semaphore_mem>>)
      %dma_wait3A = arith.constant 0 : i32
      %dma_wait3A_77 = tpu.memref_slice %arg5[%mul3A_0, %dma_wait3A] : memref<128x128xi32, #tpu.memory_space<hbm>> -> memref<8x128xi32, #tpu.memory_space<hbm>>
      %dma_wait3A_78 = arith.constant 0 : i32
      %dma_wait3A_79 = tpu.memref_slice %arg5[%mul3A_0, %dma_wait3A_78] : memref<128x128xi32, #tpu.memory_space<hbm>> -> memref<8x128xi32, #tpu.memory_space<hbm>>
      tpu.wait_dma2 semaphore(%run_scoped3A_72 : memref<!tpu.dma_semaphore, #tpu.memory_space<semaphore_mem>>) src(%dma_wait3A_79 : memref<8x128xi32, #tpu.memory_space<hbm>>) dst(%arg12 : memref<8x128xi32, #tpu.memory_space<vmem>>)
      tpu.yield
    }) : () -> ()
    %run_scoped3A_1 = arith.constant 0 : i32
    %run_scoped3A_2 = arith.constant 0 : i32
    "tpu.region"() ({
      %run_scoped3A_72 = tpu.sem_alloc : memref<!tpu.dma_semaphore, #tpu.memory_space<semaphore_mem>>
      %dma_start3A_73 = arith.constant 0 : i32
      %dma_start3A_74 = arith.constant 0 : i32
      %dma_start3A_75 = tpu.memref_slice %arg8[%run_scoped3A_1, %dma_start3A_73, %dma_start3A_74] : memref<2x128x128xf32, #tpu.memory_space<vmem>> -> memref<1x128x128xf32, #tpu.memory_space<vmem>>
      %dma_start3A_76 = tpu.memref_squeeze %dma_start3A_75 : memref<1x128x128xf32, #tpu.memory_space<vmem>> -> memref<128x128xf32, #tpu.memory_space<vmem>>
      %dma_start3A_77 = arith.constant 0 : i32
      %dma_start3A_78 = tpu.memref_slice %arg12[%run_scoped3A_2, %dma_start3A_77] : memref<8x128xi32, #tpu.memory_space<vmem>> -> memref<1x128xi32, #tpu.memory_space<vmem>>
      %dma_start3A_79 = tpu.memref_squeeze %dma_start3A_78 : memref<1x128xi32, #tpu.memory_space<vmem>> -> memref<128xi32, #tpu.memory_space<vmem>>
      %dma_start3A_80 = arith.constant 0 : i32
      %dma_start3A_81 = arith.constant 0 : i32
      %dma_start3A_82 = tpu.memref_slice %arg17[%dma_start3A_80, %dma_start3A_81] : memref<10240x128xf32, #tpu.memory_space<vmem_shared>> -> memref<10240x128xf32, #tpu.memory_space<vmem_shared>>
      tpu.enqueue_indirect_dma source(%dma_start3A_76 : memref<128x128xf32, #tpu.memory_space<vmem>>) target(%dma_start3A_82 : memref<10240x128xf32, #tpu.memory_space<vmem_shared>>) offsets(%dma_start3A_79 : memref<128xi32, #tpu.memory_space<vmem>>) semaphore(%run_scoped3A_72 : memref<!tpu.dma_semaphore, #tpu.memory_space<semaphore_mem>>)
      %dma_wait3A = arith.constant 0 : i32
      %dma_wait3A_83 = arith.constant 0 : i32
      %dma_wait3A_84 = tpu.memref_slice %arg8[%run_scoped3A_1, %dma_wait3A, %dma_wait3A_83] : memref<2x128x128xf32, #tpu.memory_space<vmem>> -> memref<1x128x128xf32, #tpu.memory_space<vmem>>
      %dma_wait3A_85 = tpu.memref_squeeze %dma_wait3A_84 : memref<1x128x128xf32, #tpu.memory_space<vmem>> -> memref<128x128xf32, #tpu.memory_space<vmem>>
      %dma_wait3A_86 = arith.constant 0 : i32
      %dma_wait3A_87 = tpu.memref_slice %arg12[%run_scoped3A_2, %dma_wait3A_86] : memref<8x128xi32, #tpu.memory_space<vmem>> -> memref<1x128xi32, #tpu.memory_space<vmem>>
      %dma_wait3A_88 = tpu.memref_squeeze %dma_wait3A_87 : memref<1x128xi32, #tpu.memory_space<vmem>> -> memref<128xi32, #tpu.memory_space<vmem>>
      %dma_wait3A_89 = arith.constant 0 : i32
      %dma_wait3A_90 = arith.constant 0 : i32
      %dma_wait3A_91 = tpu.memref_slice %arg17[%dma_wait3A_89, %dma_wait3A_90] : memref<10240x128xf32, #tpu.memory_space<vmem_shared>> -> memref<10240x128xf32, #tpu.memory_space<vmem_shared>>
      tpu.wait_indirect_dma semaphore(%run_scoped3A_72 : memref<!tpu.dma_semaphore, #tpu.memory_space<semaphore_mem>>) src(%dma_wait3A_85 : memref<128x128xf32, #tpu.memory_space<vmem>>) dst(%dma_wait3A_91 : memref<10240x128xf32, #tpu.memory_space<vmem_shared>>)
      tpu.yield
    }) : () -> ()
    %run_scoped3A_3 = arith.constant 0 : i32
    %run_scoped3A_4 = arith.constant 1 : i32
    "tpu.region"() ({
      %run_scoped3A_72 = tpu.sem_alloc : memref<!tpu.dma_semaphore, #tpu.memory_space<semaphore_mem>>
      %dma_start3A_73 = arith.constant 0 : i32
      %dma_start3A_74 = arith.constant 0 : i32
      %dma_start3A_75 = tpu.memref_slice %arg8[%run_scoped3A_3, %dma_start3A_73, %dma_start3A_74] : memref<2x128x128xf32, #tpu.memory_space<vmem>> -> memref<1x128x128xf32, #tpu.memory_space<vmem>>
      %dma_start3A_76 = tpu.memref_squeeze %dma_start3A_75 : memref<1x128x128xf32, #tpu.memory_space<vmem>> -> memref<128x128xf32, #tpu.memory_space<vmem>>
      %dma_start3A_77 = arith.constant 0 : i32
      %dma_start3A_78 = tpu.memref_slice %arg12[%run_scoped3A_4, %dma_start3A_77] : memref<8x128xi32, #tpu.memory_space<vmem>> -> memref<1x128xi32, #tpu.memory_space<vmem>>
      %dma_start3A_79 = tpu.memref_squeeze %dma_start3A_78 : memref<1x128xi32, #tpu.memory_space<vmem>> -> memref<128xi32, #tpu.memory_space<vmem>>
      %dma_start3A_80 = arith.constant 0 : i32
      %dma_start3A_81 = arith.constant 0 : i32
      %dma_start3A_82 = tpu.memref_slice %arg17[%dma_start3A_80, %dma_start3A_81] : memref<10240x128xf32, #tpu.memory_space<vmem_shared>> -> memref<10240x128xf32, #tpu.memory_space<vmem_shared>>
      tpu.enqueue_indirect_dma source(%dma_start3A_76 : memref<128x128xf32, #tpu.memory_space<vmem>>) target(%dma_start3A_82 : memref<10240x128xf32, #tpu.memory_space<vmem_shared>>) offsets(%dma_start3A_79 : memref<128xi32, #tpu.memory_space<vmem>>) semaphore(%run_scoped3A_72 : memref<!tpu.dma_semaphore, #tpu.memory_space<semaphore_mem>>)
      %dma_wait3A = arith.constant 0 : i32
      %dma_wait3A_83 = arith.constant 0 : i32
      %dma_wait3A_84 = tpu.memref_slice %arg8[%run_scoped3A_3, %dma_wait3A, %dma_wait3A_83] : memref<2x128x128xf32, #tpu.memory_space<vmem>> -> memref<1x128x128xf32, #tpu.memory_space<vmem>>
      %dma_wait3A_85 = tpu.memref_squeeze %dma_wait3A_84 : memref<1x128x128xf32, #tpu.memory_space<vmem>> -> memref<128x128xf32, #tpu.memory_space<vmem>>
      %dma_wait3A_86 = arith.constant 0 : i32
      %dma_wait3A_87 = tpu.memref_slice %arg12[%run_scoped3A_4, %dma_wait3A_86] : memref<8x128xi32, #tpu.memory_space<vmem>> -> memref<1x128xi32, #tpu.memory_space<vmem>>
      %dma_wait3A_88 = tpu.memref_squeeze %dma_wait3A_87 : memref<1x128xi32, #tpu.memory_space<vmem>> -> memref<128xi32, #tpu.memory_space<vmem>>
      %dma_wait3A_89 = arith.constant 0 : i32
      %dma_wait3A_90 = arith.constant 0 : i32
      %dma_wait3A_91 = tpu.memref_slice %arg17[%dma_wait3A_89, %dma_wait3A_90] : memref<10240x128xf32, #tpu.memory_space<vmem_shared>> -> memref<10240x128xf32, #tpu.memory_space<vmem_shared>>
      tpu.wait_indirect_dma semaphore(%run_scoped3A_72 : memref<!tpu.dma_semaphore, #tpu.memory_space<semaphore_mem>>) src(%dma_wait3A_85 : memref<128x128xf32, #tpu.memory_space<vmem>>) dst(%dma_wait3A_91 : memref<10240x128xf32, #tpu.memory_space<vmem_shared>>)
      tpu.yield
    }) : () -> ()
    %run_scoped3A_5 = arith.constant 0 : i32
    %run_scoped3A_6 = arith.constant 2 : i32
    "tpu.region"() ({
      %run_scoped3A_72 = tpu.sem_alloc : memref<!tpu.dma_semaphore, #tpu.memory_space<semaphore_mem>>
      %dma_start3A_73 = arith.constant 0 : i32
      %dma_start3A_74 = arith.constant 0 : i32
      %dma_start3A_75 = tpu.memref_slice %arg8[%run_scoped3A_5, %dma_start3A_73, %dma_start3A_74] : memref<2x128x128xf32, #tpu.memory_space<vmem>> -> memref<1x128x128xf32, #tpu.memory_space<vmem>>
      %dma_start3A_76 = tpu.memref_squeeze %dma_start3A_75 : memref<1x128x128xf32, #tpu.memory_space<vmem>> -> memref<128x128xf32, #tpu.memory_space<vmem>>
      %dma_start3A_77 = arith.constant 0 : i32
      %dma_start3A_78 = tpu.memref_slice %arg12[%run_scoped3A_6, %dma_start3A_77] : memref<8x128xi32, #tpu.memory_space<vmem>> -> memref<1x128xi32, #tpu.memory_space<vmem>>
      %dma_start3A_79 = tpu.memref_squeeze %dma_start3A_78 : memref<1x128xi32, #tpu.memory_space<vmem>> -> memref<128xi32, #tpu.memory_space<vmem>>
      %dma_start3A_80 = arith.constant 0 : i32
      %dma_start3A_81 = arith.constant 0 : i32
      %dma_start3A_82 = tpu.memref_slice %arg17[%dma_start3A_80, %dma_start3A_81] : memref<10240x128xf32, #tpu.memory_space<vmem_shared>> -> memref<10240x128xf32, #tpu.memory_space<vmem_shared>>
      tpu.enqueue_indirect_dma source(%dma_start3A_76 : memref<128x128xf32, #tpu.memory_space<vmem>>) target(%dma_start3A_82 : memref<10240x128xf32, #tpu.memory_space<vmem_shared>>) offsets(%dma_start3A_79 : memref<128xi32, #tpu.memory_space<vmem>>) semaphore(%run_scoped3A_72 : memref<!tpu.dma_semaphore, #tpu.memory_space<semaphore_mem>>)
      %dma_wait3A = arith.constant 0 : i32
      %dma_wait3A_83 = arith.constant 0 : i32
      %dma_wait3A_84 = tpu.memref_slice %arg8[%run_scoped3A_5, %dma_wait3A, %dma_wait3A_83] : memref<2x128x128xf32, #tpu.memory_space<vmem>> -> memref<1x128x128xf32, #tpu.memory_space<vmem>>
      %dma_wait3A_85 = tpu.memref_squeeze %dma_wait3A_84 : memref<1x128x128xf32, #tpu.memory_space<vmem>> -> memref<128x128xf32, #tpu.memory_space<vmem>>
      %dma_wait3A_86 = arith.constant 0 : i32
      %dma_wait3A_87 = tpu.memref_slice %arg12[%run_scoped3A_6, %dma_wait3A_86] : memref<8x128xi32, #tpu.memory_space<vmem>> -> memref<1x128xi32, #tpu.memory_space<vmem>>
      %dma_wait3A_88 = tpu.memref_squeeze %dma_wait3A_87 : memref<1x128xi32, #tpu.memory_space<vmem>> -> memref<128xi32, #tpu.memory_space<vmem>>
      %dma_wait3A_89 = arith.constant 0 : i32
      %dma_wait3A_90 = arith.constant 0 : i32
      %dma_wait3A_91 = tpu.memref_slice %arg17[%dma_wait3A_89, %dma_wait3A_90] : memref<10240x128xf32, #tpu.memory_space<vmem_shared>> -> memref<10240x128xf32, #tpu.memory_space<vmem_shared>>
      tpu.wait_indirect_dma semaphore(%run_scoped3A_72 : memref<!tpu.dma_semaphore, #tpu.memory_space<semaphore_mem>>) src(%dma_wait3A_85 : memref<128x128xf32, #tpu.memory_space<vmem>>) dst(%dma_wait3A_91 : memref<10240x128xf32, #tpu.memory_space<vmem_shared>>)
      tpu.yield
    }) : () -> ()
    %run_scoped3A_7 = arith.constant 0 : i32
    %run_scoped3A_8 = arith.constant 3 : i32
    "tpu.region"() ({
      %run_scoped3A_72 = tpu.sem_alloc : memref<!tpu.dma_semaphore, #tpu.memory_space<semaphore_mem>>
      %dma_start3A_73 = arith.constant 0 : i32
      %dma_start3A_74 = arith.constant 0 : i32
      %dma_start3A_75 = tpu.memref_slice %arg8[%run_scoped3A_7, %dma_start3A_73, %dma_start3A_74] : memref<2x128x128xf32, #tpu.memory_space<vmem>> -> memref<1x128x128xf32, #tpu.memory_space<vmem>>
      %dma_start3A_76 = tpu.memref_squeeze %dma_start3A_75 : memref<1x128x128xf32, #tpu.memory_space<vmem>> -> memref<128x128xf32, #tpu.memory_space<vmem>>
      %dma_start3A_77 = arith.constant 0 : i32
      %dma_start3A_78 = tpu.memref_slice %arg12[%run_scoped3A_8, %dma_start3A_77] : memref<8x128xi32, #tpu.memory_space<vmem>> -> memref<1x128xi32, #tpu.memory_space<vmem>>
      %dma_start3A_79 = tpu.memref_squeeze %dma_start3A_78 : memref<1x128xi32, #tpu.memory_space<vmem>> -> memref<128xi32, #tpu.memory_space<vmem>>
      %dma_start3A_80 = arith.constant 0 : i32
      %dma_start3A_81 = arith.constant 0 : i32
      %dma_start3A_82 = tpu.memref_slice %arg17[%dma_start3A_80, %dma_start3A_81] : memref<10240x128xf32, #tpu.memory_space<vmem_shared>> -> memref<10240x128xf32, #tpu.memory_space<vmem_shared>>
      tpu.enqueue_indirect_dma source(%dma_start3A_76 : memref<128x128xf32, #tpu.memory_space<vmem>>) target(%dma_start3A_82 : memref<10240x128xf32, #tpu.memory_space<vmem_shared>>) offsets(%dma_start3A_79 : memref<128xi32, #tpu.memory_space<vmem>>) semaphore(%run_scoped3A_72 : memref<!tpu.dma_semaphore, #tpu.memory_space<semaphore_mem>>)
      %dma_wait3A = arith.constant 0 : i32
      %dma_wait3A_83 = arith.constant 0 : i32
      %dma_wait3A_84 = tpu.memref_slice %arg8[%run_scoped3A_7, %dma_wait3A, %dma_wait3A_83] : memref<2x128x128xf32, #tpu.memory_space<vmem>> -> memref<1x128x128xf32, #tpu.memory_space<vmem>>
      %dma_wait3A_85 = tpu.memref_squeeze %dma_wait3A_84 : memref<1x128x128xf32, #tpu.memory_space<vmem>> -> memref<128x128xf32, #tpu.memory_space<vmem>>
      %dma_wait3A_86 = arith.constant 0 : i32
      %dma_wait3A_87 = tpu.memref_slice %arg12[%run_scoped3A_8, %dma_wait3A_86] : memref<8x128xi32, #tpu.memory_space<vmem>> -> memref<1x128xi32, #tpu.memory_space<vmem>>
      %dma_wait3A_88 = tpu.memref_squeeze %dma_wait3A_87 : memref<1x128xi32, #tpu.memory_space<vmem>> -> memref<128xi32, #tpu.memory_space<vmem>>
      %dma_wait3A_89 = arith.constant 0 : i32
      %dma_wait3A_90 = arith.constant 0 : i32
      %dma_wait3A_91 = tpu.memref_slice %arg17[%dma_wait3A_89, %dma_wait3A_90] : memref<10240x128xf32, #tpu.memory_space<vmem_shared>> -> memref<10240x128xf32, #tpu.memory_space<vmem_shared>>
      tpu.wait_indirect_dma semaphore(%run_scoped3A_72 : memref<!tpu.dma_semaphore, #tpu.memory_space<semaphore_mem>>) src(%dma_wait3A_85 : memref<128x128xf32, #tpu.memory_space<vmem>>) dst(%dma_wait3A_91 : memref<10240x128xf32, #tpu.memory_space<vmem_shared>>)
      tpu.yield
    }) : () -> ()
    %run_scoped3A_9 = arith.constant 0 : i32
    %run_scoped3A_10 = arith.constant 4 : i32
    "tpu.region"() ({
      %run_scoped3A_72 = tpu.sem_alloc : memref<!tpu.dma_semaphore, #tpu.memory_space<semaphore_mem>>
      %dma_start3A_73 = arith.constant 0 : i32
      %dma_start3A_74 = arith.constant 0 : i32
      %dma_start3A_75 = tpu.memref_slice %arg8[%run_scoped3A_9, %dma_start3A_73, %dma_start3A_74] : memref<2x128x128xf32, #tpu.memory_space<vmem>> -> memref<1x128x128xf32, #tpu.memory_space<vmem>>
      %dma_start3A_76 = tpu.memref_squeeze %dma_start3A_75 : memref<1x128x128xf32, #tpu.memory_space<vmem>> -> memref<128x128xf32, #tpu.memory_space<vmem>>
      %dma_start3A_77 = arith.constant 0 : i32
      %dma_start3A_78 = tpu.memref_slice %arg12[%run_scoped3A_10, %dma_start3A_77] : memref<8x128xi32, #tpu.memory_space<vmem>> -> memref<1x128xi32, #tpu.memory_space<vmem>>
      %dma_start3A_79 = tpu.memref_squeeze %dma_start3A_78 : memref<1x128xi32, #tpu.memory_space<vmem>> -> memref<128xi32, #tpu.memory_space<vmem>>
      %dma_start3A_80 = arith.constant 0 : i32
      %dma_start3A_81 = arith.constant 0 : i32
      %dma_start3A_82 = tpu.memref_slice %arg17[%dma_start3A_80, %dma_start3A_81] : memref<10240x128xf32, #tpu.memory_space<vmem_shared>> -> memref<10240x128xf32, #tpu.memory_space<vmem_shared>>
      tpu.enqueue_indirect_dma source(%dma_start3A_76 : memref<128x128xf32, #tpu.memory_space<vmem>>) target(%dma_start3A_82 : memref<10240x128xf32, #tpu.memory_space<vmem_shared>>) offsets(%dma_start3A_79 : memref<128xi32, #tpu.memory_space<vmem>>) semaphore(%run_scoped3A_72 : memref<!tpu.dma_semaphore, #tpu.memory_space<semaphore_mem>>)
      %dma_wait3A = arith.constant 0 : i32
      %dma_wait3A_83 = arith.constant 0 : i32
      %dma_wait3A_84 = tpu.memref_slice %arg8[%run_scoped3A_9, %dma_wait3A, %dma_wait3A_83] : memref<2x128x128xf32, #tpu.memory_space<vmem>> -> memref<1x128x128xf32, #tpu.memory_space<vmem>>
      %dma_wait3A_85 = tpu.memref_squeeze %dma_wait3A_84 : memref<1x128x128xf32, #tpu.memory_space<vmem>> -> memref<128x128xf32, #tpu.memory_space<vmem>>
      %dma_wait3A_86 = arith.constant 0 : i32
      %dma_wait3A_87 = tpu.memref_slice %arg12[%run_scoped3A_10, %dma_wait3A_86] : memref<8x128xi32, #tpu.memory_space<vmem>> -> memref<1x128xi32, #tpu.memory_space<vmem>>
      %dma_wait3A_88 = tpu.memref_squeeze %dma_wait3A_87 : memref<1x128xi32, #tpu.memory_space<vmem>> -> memref<128xi32, #tpu.memory_space<vmem>>
      %dma_wait3A_89 = arith.constant 0 : i32
      %dma_wait3A_90 = arith.constant 0 : i32
      %dma_wait3A_91 = tpu.memref_slice %arg17[%dma_wait3A_89, %dma_wait3A_90] : memref<10240x128xf32, #tpu.memory_space<vmem_shared>> -> memref<10240x128xf32, #tpu.memory_space<vmem_shared>>
      tpu.wait_indirect_dma semaphore(%run_scoped3A_72 : memref<!tpu.dma_semaphore, #tpu.memory_space<semaphore_mem>>) src(%dma_wait3A_85 : memref<128x128xf32, #tpu.memory_space<vmem>>) dst(%dma_wait3A_91 : memref<10240x128xf32, #tpu.memory_space<vmem_shared>>)
      tpu.yield
    }) : () -> ()
    %barrier3A = arith.constant 0 : index
    tpu.barrier barrier_id(%barrier3A)
    %mul3A_11 = arith.constant 1280 : i32
    %mul3A_12 = arith.muli %arg0, %mul3A_11 : i32
    %mul3A_13 = arith.constant 80 : i32
    %mul3A_14 = arith.muli %arg1, %mul3A_13 : i32
    %add3A = arith.addi %mul3A_12, %mul3A_14 : i32
    "tpu.region"() ({
      %run_scoped3A_72 = tpu.sem_alloc : memref<!tpu.dma_semaphore, #tpu.memory_space<semaphore_mem>>
      %dma_start3A_73 = arith.constant 0 : i32
      %dma_start3A_74 = tpu.memref_slice %arg4[%add3A, %dma_start3A_73] : memref<2560x128xi32, #tpu.memory_space<hbm>> -> memref<80x128xi32, #tpu.memory_space<hbm>>
      %dma_start3A_75 = arith.constant 0 : i32
      %dma_start3A_76 = tpu.memref_slice %arg4[%add3A, %dma_start3A_75] : memref<2560x128xi32, #tpu.memory_space<hbm>> -> memref<80x128xi32, #tpu.memory_space<hbm>>
      tpu.enqueue_dma source(%dma_start3A_76 : memref<80x128xi32, #tpu.memory_space<hbm>>) target(%arg11 : memref<80x128xi32, #tpu.memory_space<vmem>>) target_semaphore(%run_scoped3A_72 : memref<!tpu.dma_semaphore, #tpu.memory_space<semaphore_mem>>)
      %dma_wait3A = arith.constant 0 : i32
      %dma_wait3A_77 = tpu.memref_slice %arg4[%add3A, %dma_wait3A] : memref<2560x128xi32, #tpu.memory_space<hbm>> -> memref<80x128xi32, #tpu.memory_space<hbm>>
      %dma_wait3A_78 = arith.constant 0 : i32
      %dma_wait3A_79 = tpu.memref_slice %arg4[%add3A, %dma_wait3A_78] : memref<2560x128xi32, #tpu.memory_space<hbm>> -> memref<80x128xi32, #tpu.memory_space<hbm>>
      tpu.wait_dma2 semaphore(%run_scoped3A_72 : memref<!tpu.dma_semaphore, #tpu.memory_space<semaphore_mem>>) src(%dma_wait3A_79 : memref<80x128xi32, #tpu.memory_space<hbm>>) dst(%arg11 : memref<80x128xi32, #tpu.memory_space<vmem>>)
      tpu.yield
    }) : () -> ()
    "tpu.region"() ({
      %run_scoped3A_72 = tpu.sem_alloc : memref<!tpu.dma_semaphore, #tpu.memory_space<semaphore_mem>>
      %dma_start3A_73 = arith.constant 0 : i32
      %dma_start3A_74 = tpu.memref_slice %arg3[%add3A, %dma_start3A_73] : memref<2560x128xi32, #tpu.memory_space<hbm>> -> memref<1x128xi32, #tpu.memory_space<hbm>>
      %dma_start3A_75 = tpu.memref_squeeze %dma_start3A_74 : memref<1x128xi32, #tpu.memory_space<hbm>> -> memref<128xi32, #tpu.memory_space<hbm>>
      %dma_start3A_76 = arith.constant 0 : i32
      %dma_start3A_77 = tpu.memref_slice %arg3[%add3A, %dma_start3A_76] : memref<2560x128xi32, #tpu.memory_space<hbm>> -> memref<1x128xi32, #tpu.memory_space<hbm>>
      %dma_start3A_78 = tpu.memref_squeeze %dma_start3A_77 : memref<1x128xi32, #tpu.memory_space<hbm>> -> memref<128xi32, #tpu.memory_space<hbm>>
      tpu.enqueue_dma source(%dma_start3A_78 : memref<128xi32, #tpu.memory_space<hbm>>) target(%arg9 : memref<128xi32, #tpu.memory_space<vmem>>) target_semaphore(%run_scoped3A_72 : memref<!tpu.dma_semaphore, #tpu.memory_space<semaphore_mem>>)
      %dma_wait3A = arith.constant 0 : i32
      %dma_wait3A_79 = tpu.memref_slice %arg3[%add3A, %dma_wait3A] : memref<2560x128xi32, #tpu.memory_space<hbm>> -> memref<1x128xi32, #tpu.memory_space<hbm>>
      %dma_wait3A_80 = tpu.memref_squeeze %dma_wait3A_79 : memref<1x128xi32, #tpu.memory_space<hbm>> -> memref<128xi32, #tpu.memory_space<hbm>>
      %dma_wait3A_81 = arith.constant 0 : i32
      %dma_wait3A_82 = tpu.memref_slice %arg3[%add3A, %dma_wait3A_81] : memref<2560x128xi32, #tpu.memory_space<hbm>> -> memref<1x128xi32, #tpu.memory_space<hbm>>
      %dma_wait3A_83 = tpu.memref_squeeze %dma_wait3A_82 : memref<1x128xi32, #tpu.memory_space<hbm>> -> memref<128xi32, #tpu.memory_space<hbm>>
      tpu.wait_dma2 semaphore(%run_scoped3A_72 : memref<!tpu.dma_semaphore, #tpu.memory_space<semaphore_mem>>) src(%dma_wait3A_83 : memref<128xi32, #tpu.memory_space<hbm>>) dst(%arg9 : memref<128xi32, #tpu.memory_space<vmem>>)
      tpu.yield
    }) : () -> ()
    %add3A_15 = arith.constant 1 : i32
    %add3A_16 = arith.addi %add3A, %add3A_15 : i32
    %dma_start3A = arith.constant 0 : i32
    %dma_start3A_17 = tpu.memref_slice %arg3[%add3A_16, %dma_start3A] : memref<2560x128xi32, #tpu.memory_space<hbm>> -> memref<1x128xi32, #tpu.memory_space<hbm>>
    %dma_start3A_18 = tpu.memref_squeeze %dma_start3A_17 : memref<1x128xi32, #tpu.memory_space<hbm>> -> memref<128xi32, #tpu.memory_space<hbm>>
    %dma_start3A_19 = arith.constant 0 : i32
    %dma_start3A_20 = tpu.memref_slice %arg3[%add3A_16, %dma_start3A_19] : memref<2560x128xi32, #tpu.memory_space<hbm>> -> memref<1x128xi32, #tpu.memory_space<hbm>>
    %dma_start3A_21 = tpu.memref_squeeze %dma_start3A_20 : memref<1x128xi32, #tpu.memory_space<hbm>> -> memref<128xi32, #tpu.memory_space<hbm>>
    tpu.enqueue_dma source(%dma_start3A_21 : memref<128xi32, #tpu.memory_space<hbm>>) target(%arg10 : memref<128xi32, #tpu.memory_space<vmem>>) target_semaphore(%arg16 : memref<!tpu.dma_semaphore, #tpu.memory_space<semaphore_mem>>)
    %dma_start3A_22 = arith.constant 0 : i32
    %dma_start3A_23 = arith.constant 0 : i32
    %dma_start3A_24 = arith.constant 0 : i32
    %dma_start3A_25 = tpu.memref_slice %arg8[%dma_start3A_22, %dma_start3A_23, %dma_start3A_24] : memref<2x128x128xf32, #tpu.memory_space<vmem>> -> memref<1x128x128xf32, #tpu.memory_space<vmem>>
    %dma_start3A_26 = tpu.memref_squeeze %dma_start3A_25 : memref<1x128x128xf32, #tpu.memory_space<vmem>> -> memref<128x128xf32, #tpu.memory_space<vmem>>
    %dma_start3A_27 = arith.constant 0 : i32
    %dma_start3A_28 = arith.constant 0 : i32
    %dma_start3A_29 = tpu.memref_slice %arg2[%dma_start3A_27, %dma_start3A_28] : memref<10240x128xf32, #tpu.memory_space<hbm>> -> memref<10240x128xf32, #tpu.memory_space<hbm>>
    tpu.enqueue_indirect_dma source(%dma_start3A_29 : memref<10240x128xf32, #tpu.memory_space<hbm>>) target(%dma_start3A_26 : memref<128x128xf32, #tpu.memory_space<vmem>>) offsets(%arg9 : memref<128xi32, #tpu.memory_space<vmem>>) semaphore(%arg13 : memref<!tpu.dma_semaphore, #tpu.memory_space<semaphore_mem>>)
    %scan3A = arith.constant 0 : i32
    %scan3A_30 = arith.constant 0 : i32
    %scan3A_31 = arith.constant 40 : i32
    %scan3A_32 = arith.addi %scan3A_30, %scan3A_31 : i32
    %scan3A_33 = arith.constant 1 : i32
    %scan3A_34 = scf.for %scan3A_72 = %scan3A_30 to %scan3A_32 step %scan3A_33 iter_args(%scan3A_73 = %scan3A) -> (i32)  : i32 {
      %mul3A_74 = arith.constant 2 : i32
      %mul3A_75 = arith.muli %mul3A_74, %scan3A_72 : i32
      %add3A_76 = arith.constant 1 : i32
      %add3A_77 = arith.addi %mul3A_75, %add3A_76 : i32
      %dma_wait3A = arith.constant 0 : i32
      %dma_wait3A_78 = arith.constant 0 : i32
      %dma_wait3A_79 = arith.constant 0 : i32
      %dma_wait3A_80 = tpu.memref_slice %arg8[%dma_wait3A, %dma_wait3A_78, %dma_wait3A_79] : memref<2x128x128xf32, #tpu.memory_space<vmem>> -> memref<1x128x128xf32, #tpu.memory_space<vmem>>
      %dma_wait3A_81 = tpu.memref_squeeze %dma_wait3A_80 : memref<1x128x128xf32, #tpu.memory_space<vmem>> -> memref<128x128xf32, #tpu.memory_space<vmem>>
      %dma_wait3A_82 = arith.constant 0 : i32
      %dma_wait3A_83 = arith.constant 0 : i32
      %dma_wait3A_84 = tpu.memref_slice %arg2[%dma_wait3A_82, %dma_wait3A_83] : memref<10240x128xf32, #tpu.memory_space<hbm>> -> memref<10240x128xf32, #tpu.memory_space<hbm>>
      tpu.wait_indirect_dma semaphore(%arg13 : memref<!tpu.dma_semaphore, #tpu.memory_space<semaphore_mem>>) src(%dma_wait3A_84 : memref<10240x128xf32, #tpu.memory_space<hbm>>) dst(%dma_wait3A_81 : memref<128x128xf32, #tpu.memory_space<vmem>>)
      %add3A_85 = arith.constant 2 : i32
      %add3A_86 = arith.addi %mul3A_75, %add3A_85 : i32
      %lt3A = arith.constant 80 : i32
      %lt3A_87 = arith.cmpi slt, %add3A_86, %lt3A : i32
      %convert_element_type3A = arith.extui %lt3A_87 : i1 to i32
      %cond3A = arith.constant 0 : i32
      %cond3A_88 = arith.cmpi ne, %convert_element_type3A, %cond3A : i32
      scf.if %cond3A_88 {
        %add3A_129 = arith.addi %add3A, %mul3A_75 : i32
        %add3A_130 = arith.constant 2 : i32
        %add3A_131 = arith.addi %add3A_129, %add3A_130 : i32
        %dma_start3A_132 = arith.constant 0 : i32
        %dma_start3A_133 = tpu.memref_slice %arg3[%add3A_131, %dma_start3A_132] : memref<2560x128xi32, #tpu.memory_space<hbm>> -> memref<1x128xi32, #tpu.memory_space<hbm>>
        %dma_start3A_134 = tpu.memref_squeeze %dma_start3A_133 : memref<1x128xi32, #tpu.memory_space<hbm>> -> memref<128xi32, #tpu.memory_space<hbm>>
        %dma_start3A_135 = arith.constant 0 : i32
        %dma_start3A_136 = tpu.memref_slice %arg3[%add3A_131, %dma_start3A_135] : memref<2560x128xi32, #tpu.memory_space<hbm>> -> memref<1x128xi32, #tpu.memory_space<hbm>>
        %dma_start3A_137 = tpu.memref_squeeze %dma_start3A_136 : memref<1x128xi32, #tpu.memory_space<hbm>> -> memref<128xi32, #tpu.memory_space<hbm>>
        tpu.enqueue_dma source(%dma_start3A_137 : memref<128xi32, #tpu.memory_space<hbm>>) target(%arg9 : memref<128xi32, #tpu.memory_space<vmem>>) target_semaphore(%arg15 : memref<!tpu.dma_semaphore, #tpu.memory_space<semaphore_mem>>)
      } else {
      }
      %dma_wait3A_89 = arith.constant 0 : i32
      %dma_wait3A_90 = arith.constant 0 : i32
      %dma_wait3A_91 = tpu.memref_slice %arg3[%dma_wait3A_89, %dma_wait3A_90] : memref<2560x128xi32, #tpu.memory_space<hbm>> -> memref<1x128xi32, #tpu.memory_space<hbm>>
      %dma_wait3A_92 = tpu.memref_squeeze %dma_wait3A_91 : memref<1x128xi32, #tpu.memory_space<hbm>> -> memref<128xi32, #tpu.memory_space<hbm>>
      %dma_wait3A_93 = arith.constant 0 : i32
      %dma_wait3A_94 = tpu.memref_slice %arg3[%dma_wait3A_89, %dma_wait3A_93] : memref<2560x128xi32, #tpu.memory_space<hbm>> -> memref<1x128xi32, #tpu.memory_space<hbm>>
      %dma_wait3A_95 = tpu.memref_squeeze %dma_wait3A_94 : memref<1x128xi32, #tpu.memory_space<hbm>> -> memref<128xi32, #tpu.memory_space<hbm>>
      tpu.wait_dma2 semaphore(%arg16 : memref<!tpu.dma_semaphore, #tpu.memory_space<semaphore_mem>>) src(%dma_wait3A_95 : memref<128xi32, #tpu.memory_space<hbm>>) dst(%arg10 : memref<128xi32, #tpu.memory_space<vmem>>)
      %dma_start3A_96 = arith.constant 1 : i32
      %dma_start3A_97 = arith.constant 0 : i32
      %dma_start3A_98 = arith.constant 0 : i32
      %dma_start3A_99 = tpu.memref_slice %arg8[%dma_start3A_96, %dma_start3A_97, %dma_start3A_98] : memref<2x128x128xf32, #tpu.memory_space<vmem>> -> memref<1x128x128xf32, #tpu.memory_space<vmem>>
      %dma_start3A_100 = tpu.memref_squeeze %dma_start3A_99 : memref<1x128x128xf32, #tpu.memory_space<vmem>> -> memref<128x128xf32, #tpu.memory_space<vmem>>
      %dma_start3A_101 = arith.constant 0 : i32
      %dma_start3A_102 = arith.constant 0 : i32
      %dma_start3A_103 = tpu.memref_slice %arg2[%dma_start3A_101, %dma_start3A_102] : memref<10240x128xf32, #tpu.memory_space<hbm>> -> memref<10240x128xf32, #tpu.memory_space<hbm>>
      tpu.enqueue_indirect_dma source(%dma_start3A_103 : memref<10240x128xf32, #tpu.memory_space<hbm>>) target(%dma_start3A_100 : memref<128x128xf32, #tpu.memory_space<vmem>>) offsets(%arg10 : memref<128xi32, #tpu.memory_space<vmem>>) semaphore(%arg14 : memref<!tpu.dma_semaphore, #tpu.memory_space<semaphore_mem>>)
      %run_scoped3A_104 = arith.constant 0 : i32
      "tpu.region"() ({
        %run_scoped3A_129 = tpu.sem_alloc : memref<!tpu.dma_semaphore, #tpu.memory_space<semaphore_mem>>
        %dma_start3A_130 = arith.constant 0 : i32
        %dma_start3A_131 = arith.constant 0 : i32
        %dma_start3A_132 = tpu.memref_slice %arg8[%run_scoped3A_104, %dma_start3A_130, %dma_start3A_131] : memref<2x128x128xf32, #tpu.memory_space<vmem>> -> memref<1x128x128xf32, #tpu.memory_space<vmem>>
        %dma_start3A_133 = tpu.memref_squeeze %dma_start3A_132 : memref<1x128x128xf32, #tpu.memory_space<vmem>> -> memref<128x128xf32, #tpu.memory_space<vmem>>
        %dma_start3A_134 = arith.constant 0 : i32
        %dma_start3A_135 = tpu.memref_slice %arg11[%mul3A_75, %dma_start3A_134] : memref<80x128xi32, #tpu.memory_space<vmem>> -> memref<1x128xi32, #tpu.memory_space<vmem>>
        %dma_start3A_136 = tpu.memref_squeeze %dma_start3A_135 : memref<1x128xi32, #tpu.memory_space<vmem>> -> memref<128xi32, #tpu.memory_space<vmem>>
        %dma_start3A_137 = arith.constant 0 : i32
        %dma_start3A_138 = arith.constant 0 : i32
        %dma_start3A_139 = tpu.memref_slice %arg17[%dma_start3A_137, %dma_start3A_138] : memref<10240x128xf32, #tpu.memory_space<vmem_shared>> -> memref<10240x128xf32, #tpu.memory_space<vmem_shared>>
        tpu.enqueue_indirect_dma source(%dma_start3A_133 : memref<128x128xf32, #tpu.memory_space<vmem>>) target(%dma_start3A_139 : memref<10240x128xf32, #tpu.memory_space<vmem_shared>>) offsets(%dma_start3A_136 : memref<128xi32, #tpu.memory_space<vmem>>) semaphore(%run_scoped3A_129 : memref<!tpu.dma_semaphore, #tpu.memory_space<semaphore_mem>>) {add = true}
        %dma_wait3A_140 = arith.constant 0 : i32
        %dma_wait3A_141 = arith.constant 0 : i32
        %dma_wait3A_142 = tpu.memref_slice %arg8[%run_scoped3A_104, %dma_wait3A_140, %dma_wait3A_141] : memref<2x128x128xf32, #tpu.memory_space<vmem>> -> memref<1x128x128xf32, #tpu.memory_space<vmem>>
        %dma_wait3A_143 = tpu.memref_squeeze %dma_wait3A_142 : memref<1x128x128xf32, #tpu.memory_space<vmem>> -> memref<128x128xf32, #tpu.memory_space<vmem>>
        %dma_wait3A_144 = arith.constant 0 : i32
        %dma_wait3A_145 = tpu.memref_slice %arg11[%mul3A_75, %dma_wait3A_144] : memref<80x128xi32, #tpu.memory_space<vmem>> -> memref<1x128xi32, #tpu.memory_space<vmem>>
        %dma_wait3A_146 = tpu.memref_squeeze %dma_wait3A_145 : memref<1x128xi32, #tpu.memory_space<vmem>> -> memref<128xi32, #tpu.memory_space<vmem>>
        %dma_wait3A_147 = arith.constant 0 : i32
        %dma_wait3A_148 = arith.constant 0 : i32
        %dma_wait3A_149 = tpu.memref_slice %arg17[%dma_wait3A_147, %dma_wait3A_148] : memref<10240x128xf32, #tpu.memory_space<vmem_shared>> -> memref<10240x128xf32, #tpu.memory_space<vmem_shared>>
        tpu.wait_indirect_dma semaphore(%run_scoped3A_129 : memref<!tpu.dma_semaphore, #tpu.memory_space<semaphore_mem>>) src(%dma_wait3A_143 : memref<128x128xf32, #tpu.memory_space<vmem>>) dst(%dma_wait3A_149 : memref<10240x128xf32, #tpu.memory_space<vmem_shared>>)
        tpu.yield
      }) : () -> ()
      %dma_wait3A_105 = arith.constant 1 : i32
      %dma_wait3A_106 = arith.constant 0 : i32
      %dma_wait3A_107 = arith.constant 0 : i32
      %dma_wait3A_108 = tpu.memref_slice %arg8[%dma_wait3A_105, %dma_wait3A_106, %dma_wait3A_107] : memref<2x128x128xf32, #tpu.memory_space<vmem>> -> memref<1x128x128xf32, #tpu.memory_space<vmem>>
      %dma_wait3A_109 = tpu.memref_squeeze %dma_wait3A_108 : memref<1x128x128xf32, #tpu.memory_space<vmem>> -> memref<128x128xf32, #tpu.memory_space<vmem>>
      %dma_wait3A_110 = arith.constant 0 : i32
      %dma_wait3A_111 = arith.constant 0 : i32
      %dma_wait3A_112 = tpu.memref_slice %arg2[%dma_wait3A_110, %dma_wait3A_111] : memref<10240x128xf32, #tpu.memory_space<hbm>> -> memref<10240x128xf32, #tpu.memory_space<hbm>>
      tpu.wait_indirect_dma semaphore(%arg14 : memref<!tpu.dma_semaphore, #tpu.memory_space<semaphore_mem>>) src(%dma_wait3A_112 : memref<10240x128xf32, #tpu.memory_space<hbm>>) dst(%dma_wait3A_109 : memref<128x128xf32, #tpu.memory_space<vmem>>)
      %add3A_113 = arith.constant 2 : i32
      %add3A_114 = arith.addi %add3A_77, %add3A_113 : i32
      %lt3A_115 = arith.constant 80 : i32
      %lt3A_116 = arith.cmpi slt, %add3A_114, %lt3A_115 : i32
      %convert_element_type3A_117 = arith.extui %lt3A_116 : i1 to i32
      %cond3A_118 = arith.constant 0 : i32
      %cond3A_119 = arith.cmpi ne, %convert_element_type3A_117, %cond3A_118 : i32
      scf.if %cond3A_119 {
        %add3A_129 = arith.addi %add3A, %add3A_77 : i32
        %add3A_130 = arith.constant 2 : i32
        %add3A_131 = arith.addi %add3A_129, %add3A_130 : i32
        %dma_start3A_132 = arith.constant 0 : i32
        %dma_start3A_133 = tpu.memref_slice %arg3[%add3A_131, %dma_start3A_132] : memref<2560x128xi32, #tpu.memory_space<hbm>> -> memref<1x128xi32, #tpu.memory_space<hbm>>
        %dma_start3A_134 = tpu.memref_squeeze %dma_start3A_133 : memref<1x128xi32, #tpu.memory_space<hbm>> -> memref<128xi32, #tpu.memory_space<hbm>>
        %dma_start3A_135 = arith.constant 0 : i32
        %dma_start3A_136 = tpu.memref_slice %arg3[%add3A_131, %dma_start3A_135] : memref<2560x128xi32, #tpu.memory_space<hbm>> -> memref<1x128xi32, #tpu.memory_space<hbm>>
        %dma_start3A_137 = tpu.memref_squeeze %dma_start3A_136 : memref<1x128xi32, #tpu.memory_space<hbm>> -> memref<128xi32, #tpu.memory_space<hbm>>
        tpu.enqueue_dma source(%dma_start3A_137 : memref<128xi32, #tpu.memory_space<hbm>>) target(%arg10 : memref<128xi32, #tpu.memory_space<vmem>>) target_semaphore(%arg16 : memref<!tpu.dma_semaphore, #tpu.memory_space<semaphore_mem>>)
      } else {
      }
      %add3A_120 = arith.constant 2 : i32
      %add3A_121 = arith.addi %mul3A_75, %add3A_120 : i32
      %lt3A_122 = arith.constant 80 : i32
      %lt3A_123 = arith.cmpi slt, %add3A_121, %lt3A_122 : i32
      %convert_element_type3A_124 = arith.extui %lt3A_123 : i1 to i32
      %cond3A_125 = arith.constant 0 : i32
      %cond3A_126 = arith.cmpi ne, %convert_element_type3A_124, %cond3A_125 : i32
      scf.if %cond3A_126 {
        %dma_wait3A_129 = arith.constant 0 : i32
        %dma_wait3A_130 = arith.constant 0 : i32
        %dma_wait3A_131 = tpu.memref_slice %arg3[%dma_wait3A_129, %dma_wait3A_130] : memref<2560x128xi32, #tpu.memory_space<hbm>> -> memref<1x128xi32, #tpu.memory_space<hbm>>
        %dma_wait3A_132 = tpu.memref_squeeze %dma_wait3A_131 : memref<1x128xi32, #tpu.memory_space<hbm>> -> memref<128xi32, #tpu.memory_space<hbm>>
        %dma_wait3A_133 = arith.constant 0 : i32
        %dma_wait3A_134 = tpu.memref_slice %arg3[%dma_wait3A_129, %dma_wait3A_133] : memref<2560x128xi32, #tpu.memory_space<hbm>> -> memref<1x128xi32, #tpu.memory_space<hbm>>
        %dma_wait3A_135 = tpu.memref_squeeze %dma_wait3A_134 : memref<1x128xi32, #tpu.memory_space<hbm>> -> memref<128xi32, #tpu.memory_space<hbm>>
        tpu.wait_dma2 semaphore(%arg15 : memref<!tpu.dma_semaphore, #tpu.memory_space<semaphore_mem>>) src(%dma_wait3A_135 : memref<128xi32, #tpu.memory_space<hbm>>) dst(%arg9 : memref<128xi32, #tpu.memory_space<vmem>>)
        %dma_start3A_136 = arith.constant 0 : i32
        %dma_start3A_137 = arith.constant 0 : i32
        %dma_start3A_138 = arith.constant 0 : i32
        %dma_start3A_139 = tpu.memref_slice %arg8[%dma_start3A_136, %dma_start3A_137, %dma_start3A_138] : memref<2x128x128xf32, #tpu.memory_space<vmem>> -> memref<1x128x128xf32, #tpu.memory_space<vmem>>
        %dma_start3A_140 = tpu.memref_squeeze %dma_start3A_139 : memref<1x128x128xf32, #tpu.memory_space<vmem>> -> memref<128x128xf32, #tpu.memory_space<vmem>>
        %dma_start3A_141 = arith.constant 0 : i32
        %dma_start3A_142 = arith.constant 0 : i32
        %dma_start3A_143 = tpu.memref_slice %arg2[%dma_start3A_141, %dma_start3A_142] : memref<10240x128xf32, #tpu.memory_space<hbm>> -> memref<10240x128xf32, #tpu.memory_space<hbm>>
        tpu.enqueue_indirect_dma source(%dma_start3A_143 : memref<10240x128xf32, #tpu.memory_space<hbm>>) target(%dma_start3A_140 : memref<128x128xf32, #tpu.memory_space<vmem>>) offsets(%arg9 : memref<128xi32, #tpu.memory_space<vmem>>) semaphore(%arg13 : memref<!tpu.dma_semaphore, #tpu.memory_space<semaphore_mem>>)
      } else {
      }
      %run_scoped3A_127 = arith.constant 1 : i32
      "tpu.region"() ({
        %run_scoped3A_129 = tpu.sem_alloc : memref<!tpu.dma_semaphore, #tpu.memory_space<semaphore_mem>>
        %dma_start3A_130 = arith.constant 0 : i32
        %dma_start3A_131 = arith.constant 0 : i32
        %dma_start3A_132 = tpu.memref_slice %arg8[%run_scoped3A_127, %dma_start3A_130, %dma_start3A_131] : memref<2x128x128xf32, #tpu.memory_space<vmem>> -> memref<1x128x128xf32, #tpu.memory_space<vmem>>
        %dma_start3A_133 = tpu.memref_squeeze %dma_start3A_132 : memref<1x128x128xf32, #tpu.memory_space<vmem>> -> memref<128x128xf32, #tpu.memory_space<vmem>>
        %dma_start3A_134 = arith.constant 0 : i32
        %dma_start3A_135 = tpu.memref_slice %arg11[%add3A_77, %dma_start3A_134] : memref<80x128xi32, #tpu.memory_space<vmem>> -> memref<1x128xi32, #tpu.memory_space<vmem>>
        %dma_start3A_136 = tpu.memref_squeeze %dma_start3A_135 : memref<1x128xi32, #tpu.memory_space<vmem>> -> memref<128xi32, #tpu.memory_space<vmem>>
        %dma_start3A_137 = arith.constant 0 : i32
        %dma_start3A_138 = arith.constant 0 : i32
        %dma_start3A_139 = tpu.memref_slice %arg17[%dma_start3A_137, %dma_start3A_138] : memref<10240x128xf32, #tpu.memory_space<vmem_shared>> -> memref<10240x128xf32, #tpu.memory_space<vmem_shared>>
        tpu.enqueue_indirect_dma source(%dma_start3A_133 : memref<128x128xf32, #tpu.memory_space<vmem>>) target(%dma_start3A_139 : memref<10240x128xf32, #tpu.memory_space<vmem_shared>>) offsets(%dma_start3A_136 : memref<128xi32, #tpu.memory_space<vmem>>) semaphore(%run_scoped3A_129 : memref<!tpu.dma_semaphore, #tpu.memory_space<semaphore_mem>>) {add = true}
        %dma_wait3A_140 = arith.constant 0 : i32
        %dma_wait3A_141 = arith.constant 0 : i32
        %dma_wait3A_142 = tpu.memref_slice %arg8[%run_scoped3A_127, %dma_wait3A_140, %dma_wait3A_141] : memref<2x128x128xf32, #tpu.memory_space<vmem>> -> memref<1x128x128xf32, #tpu.memory_space<vmem>>
        %dma_wait3A_143 = tpu.memref_squeeze %dma_wait3A_142 : memref<1x128x128xf32, #tpu.memory_space<vmem>> -> memref<128x128xf32, #tpu.memory_space<vmem>>
        %dma_wait3A_144 = arith.constant 0 : i32
        %dma_wait3A_145 = tpu.memref_slice %arg11[%add3A_77, %dma_wait3A_144] : memref<80x128xi32, #tpu.memory_space<vmem>> -> memref<1x128xi32, #tpu.memory_space<vmem>>
        %dma_wait3A_146 = tpu.memref_squeeze %dma_wait3A_145 : memref<1x128xi32, #tpu.memory_space<vmem>> -> memref<128xi32, #tpu.memory_space<vmem>>
        %dma_wait3A_147 = arith.constant 0 : i32
        %dma_wait3A_148 = arith.constant 0 : i32
        %dma_wait3A_149 = tpu.memref_slice %arg17[%dma_wait3A_147, %dma_wait3A_148] : memref<10240x128xf32, #tpu.memory_space<vmem_shared>> -> memref<10240x128xf32, #tpu.memory_space<vmem_shared>>
        tpu.wait_indirect_dma semaphore(%run_scoped3A_129 : memref<!tpu.dma_semaphore, #tpu.memory_space<semaphore_mem>>) src(%dma_wait3A_143 : memref<128x128xf32, #tpu.memory_space<vmem>>) dst(%dma_wait3A_149 : memref<10240x128xf32, #tpu.memory_space<vmem_shared>>)
        tpu.yield
      }) : () -> ()
      %scan3A_128 = arith.constant 0 : i32
      scf.yield %scan3A_128 : i32
    }
    %scan3A_35 = arith.constant 40 : i32
    %barrier3A_36 = arith.constant 0 : index
    tpu.barrier barrier_id(%barrier3A_36)
    %mul3A_37 = arith.constant 640 : i32
    %mul3A_38 = arith.muli %arg1, %mul3A_37 : i32
    %add3A_39 = arith.constant 0 : i32
    %add3A_40 = arith.addi %mul3A_38, %add3A_39 : i32
    %run_scoped3A_41 = arith.constant 0 : i32
    %run_scoped3A_42 = arith.constant 0 : i32
    "tpu.region"() ({
      %run_scoped3A_72 = tpu.sem_alloc : memref<!tpu.dma_semaphore, #tpu.memory_space<semaphore_mem>>
      %dma_start3A_73 = arith.constant 0 : i32
      %dma_start3A_74 = arith.constant 0 : i32
      %dma_start3A_75 = tpu.memref_slice %arg8[%run_scoped3A_42, %dma_start3A_73, %dma_start3A_74] : memref<2x128x128xf32, #tpu.memory_space<vmem>> -> memref<1x128x128xf32, #tpu.memory_space<vmem>>
      %dma_start3A_76 = tpu.memref_squeeze %dma_start3A_75 : memref<1x128x128xf32, #tpu.memory_space<vmem>> -> memref<128x128xf32, #tpu.memory_space<vmem>>
      %dma_start3A_77 = arith.constant 0 : i32
      %dma_start3A_78 = tpu.memref_slice %arg12[%run_scoped3A_41, %dma_start3A_77] : memref<8x128xi32, #tpu.memory_space<vmem>> -> memref<1x128xi32, #tpu.memory_space<vmem>>
      %dma_start3A_79 = tpu.memref_squeeze %dma_start3A_78 : memref<1x128xi32, #tpu.memory_space<vmem>> -> memref<128xi32, #tpu.memory_space<vmem>>
      %dma_start3A_80 = arith.constant 0 : i32
      %dma_start3A_81 = arith.constant 0 : i32
      %dma_start3A_82 = tpu.memref_slice %arg17[%dma_start3A_80, %dma_start3A_81] : memref<10240x128xf32, #tpu.memory_space<vmem_shared>> -> memref<10240x128xf32, #tpu.memory_space<vmem_shared>>
      tpu.enqueue_indirect_dma source(%dma_start3A_82 : memref<10240x128xf32, #tpu.memory_space<vmem_shared>>) target(%dma_start3A_76 : memref<128x128xf32, #tpu.memory_space<vmem>>) offsets(%dma_start3A_79 : memref<128xi32, #tpu.memory_space<vmem>>) semaphore(%run_scoped3A_72 : memref<!tpu.dma_semaphore, #tpu.memory_space<semaphore_mem>>)
      %dma_wait3A = arith.constant 0 : i32
      %dma_wait3A_83 = arith.constant 0 : i32
      %dma_wait3A_84 = tpu.memref_slice %arg8[%run_scoped3A_42, %dma_wait3A, %dma_wait3A_83] : memref<2x128x128xf32, #tpu.memory_space<vmem>> -> memref<1x128x128xf32, #tpu.memory_space<vmem>>
      %dma_wait3A_85 = tpu.memref_squeeze %dma_wait3A_84 : memref<1x128x128xf32, #tpu.memory_space<vmem>> -> memref<128x128xf32, #tpu.memory_space<vmem>>
      %dma_wait3A_86 = arith.constant 0 : i32
      %dma_wait3A_87 = tpu.memref_slice %arg12[%run_scoped3A_41, %dma_wait3A_86] : memref<8x128xi32, #tpu.memory_space<vmem>> -> memref<1x128xi32, #tpu.memory_space<vmem>>
      %dma_wait3A_88 = tpu.memref_squeeze %dma_wait3A_87 : memref<1x128xi32, #tpu.memory_space<vmem>> -> memref<128xi32, #tpu.memory_space<vmem>>
      %dma_wait3A_89 = arith.constant 0 : i32
      %dma_wait3A_90 = arith.constant 0 : i32
      %dma_wait3A_91 = tpu.memref_slice %arg17[%dma_wait3A_89, %dma_wait3A_90] : memref<10240x128xf32, #tpu.memory_space<vmem_shared>> -> memref<10240x128xf32, #tpu.memory_space<vmem_shared>>
      tpu.wait_indirect_dma semaphore(%run_scoped3A_72 : memref<!tpu.dma_semaphore, #tpu.memory_space<semaphore_mem>>) src(%dma_wait3A_91 : memref<10240x128xf32, #tpu.memory_space<vmem_shared>>) dst(%dma_wait3A_85 : memref<128x128xf32, #tpu.memory_space<vmem>>)
      tpu.yield
    }) : () -> ()
    %run_scoped3A_43 = arith.constant 0 : i32
    "tpu.region"() ({
      %run_scoped3A_72 = tpu.sem_alloc : memref<!tpu.dma_semaphore, #tpu.memory_space<semaphore_mem>>
      %dma_start3A_73 = arith.constant 0 : i32
      %dma_start3A_74 = arith.constant 0 : i32
      %dma_start3A_75 = tpu.memref_slice %arg8[%run_scoped3A_43, %dma_start3A_73, %dma_start3A_74] : memref<2x128x128xf32, #tpu.memory_space<vmem>> -> memref<1x128x128xf32, #tpu.memory_space<vmem>>
      %dma_start3A_76 = tpu.memref_squeeze %dma_start3A_75 : memref<1x128x128xf32, #tpu.memory_space<vmem>> -> memref<128x128xf32, #tpu.memory_space<vmem>>
      %dma_start3A_77 = arith.constant 0 : i32
      %dma_start3A_78 = tpu.memref_slice %arg7[%arg0, %add3A_40, %dma_start3A_77] : memref<2x10240x128xf32, #tpu.memory_space<hbm>> -> memref<1x128x128xf32, #tpu.memory_space<hbm>>
      %dma_start3A_79 = tpu.memref_squeeze %dma_start3A_78 : memref<1x128x128xf32, #tpu.memory_space<hbm>> -> memref<128x128xf32, #tpu.memory_space<hbm>>
      %dma_start3A_80 = arith.constant 0 : i32
      %dma_start3A_81 = tpu.memref_slice %arg7[%arg0, %add3A_40, %dma_start3A_80] : memref<2x10240x128xf32, #tpu.memory_space<hbm>> -> memref<1x128x128xf32, #tpu.memory_space<hbm>>
      %dma_start3A_82 = tpu.memref_squeeze %dma_start3A_81 : memref<1x128x128xf32, #tpu.memory_space<hbm>> -> memref<128x128xf32, #tpu.memory_space<hbm>>
      %dma_start3A_83 = arith.constant 0 : i32
      %dma_start3A_84 = arith.constant 0 : i32
      %dma_start3A_85 = tpu.memref_slice %arg8[%run_scoped3A_43, %dma_start3A_83, %dma_start3A_84] : memref<2x128x128xf32, #tpu.memory_space<vmem>> -> memref<1x128x128xf32, #tpu.memory_space<vmem>>
      %dma_start3A_86 = tpu.memref_squeeze %dma_start3A_85 : memref<1x128x128xf32, #tpu.memory_space<vmem>> -> memref<128x128xf32, #tpu.memory_space<vmem>>
      tpu.enqueue_dma source(%dma_start3A_86 : memref<128x128xf32, #tpu.memory_space<vmem>>) target(%dma_start3A_82 : memref<128x128xf32, #tpu.memory_space<hbm>>) target_semaphore(%run_scoped3A_72 : memref<!tpu.dma_semaphore, #tpu.memory_space<semaphore_mem>>)
      %dma_wait3A = arith.constant 0 : i32
      %dma_wait3A_87 = arith.constant 0 : i32
      %dma_wait3A_88 = tpu.memref_slice %arg8[%run_scoped3A_43, %dma_wait3A, %dma_wait3A_87] : memref<2x128x128xf32, #tpu.memory_space<vmem>> -> memref<1x128x128xf32, #tpu.memory_space<vmem>>
      %dma_wait3A_89 = tpu.memref_squeeze %dma_wait3A_88 : memref<1x128x128xf32, #tpu.memory_space<vmem>> -> memref<128x128xf32, #tpu.memory_space<vmem>>
      %dma_wait3A_90 = arith.constant 0 : i32
      %dma_wait3A_91 = tpu.memref_slice %arg7[%arg0, %add3A_40, %dma_wait3A_90] : memref<2x10240x128xf32, #tpu.memory_space<hbm>> -> memref<1x128x128xf32, #tpu.memory_space<hbm>>
      %dma_wait3A_92 = tpu.memref_squeeze %dma_wait3A_91 : memref<1x128x128xf32, #tpu.memory_space<hbm>> -> memref<128x128xf32, #tpu.memory_space<hbm>>
      %dma_wait3A_93 = arith.constant 0 : i32
      %dma_wait3A_94 = tpu.memref_slice %arg7[%arg0, %add3A_40, %dma_wait3A_93] : memref<2x10240x128xf32, #tpu.memory_space<hbm>> -> memref<1x128x128xf32, #tpu.memory_space<hbm>>
      %dma_wait3A_95 = tpu.memref_squeeze %dma_wait3A_94 : memref<1x128x128xf32, #tpu.memory_space<hbm>> -> memref<128x128xf32, #tpu.memory_space<hbm>>
      %dma_wait3A_96 = arith.constant 0 : i32
      %dma_wait3A_97 = arith.constant 0 : i32
      %dma_wait3A_98 = tpu.memref_slice %arg8[%run_scoped3A_43, %dma_wait3A_96, %dma_wait3A_97] : memref<2x128x128xf32, #tpu.memory_space<vmem>> -> memref<1x128x128xf32, #tpu.memory_space<vmem>>
      %dma_wait3A_99 = tpu.memref_squeeze %dma_wait3A_98 : memref<1x128x128xf32, #tpu.memory_space<vmem>> -> memref<128x128xf32, #tpu.memory_space<vmem>>
      tpu.wait_dma2 semaphore(%run_scoped3A_72 : memref<!tpu.dma_semaphore, #tpu.memory_space<semaphore_mem>>) src(%dma_wait3A_99 : memref<128x128xf32, #tpu.memory_space<vmem>>) dst(%dma_wait3A_95 : memref<128x128xf32, #tpu.memory_space<hbm>>)
      tpu.yield
    }) : () -> ()
    %mul3A_44 = arith.constant 640 : i32
    %mul3A_45 = arith.muli %arg1, %mul3A_44 : i32
    %add3A_46 = arith.constant 128 : i32
    %add3A_47 = arith.addi %mul3A_45, %add3A_46 : i32
    %run_scoped3A_48 = arith.constant 1 : i32
    %run_scoped3A_49 = arith.constant 0 : i32
    "tpu.region"() ({
      %run_scoped3A_72 = tpu.sem_alloc : memref<!tpu.dma_semaphore, #tpu.memory_space<semaphore_mem>>
      %dma_start3A_73 = arith.constant 0 : i32
      %dma_start3A_74 = arith.constant 0 : i32
      %dma_start3A_75 = tpu.memref_slice %arg8[%run_scoped3A_49, %dma_start3A_73, %dma_start3A_74] : memref<2x128x128xf32, #tpu.memory_space<vmem>> -> memref<1x128x128xf32, #tpu.memory_space<vmem>>
      %dma_start3A_76 = tpu.memref_squeeze %dma_start3A_75 : memref<1x128x128xf32, #tpu.memory_space<vmem>> -> memref<128x128xf32, #tpu.memory_space<vmem>>
      %dma_start3A_77 = arith.constant 0 : i32
      %dma_start3A_78 = tpu.memref_slice %arg12[%run_scoped3A_48, %dma_start3A_77] : memref<8x128xi32, #tpu.memory_space<vmem>> -> memref<1x128xi32, #tpu.memory_space<vmem>>
      %dma_start3A_79 = tpu.memref_squeeze %dma_start3A_78 : memref<1x128xi32, #tpu.memory_space<vmem>> -> memref<128xi32, #tpu.memory_space<vmem>>
      %dma_start3A_80 = arith.constant 0 : i32
      %dma_start3A_81 = arith.constant 0 : i32
      %dma_start3A_82 = tpu.memref_slice %arg17[%dma_start3A_80, %dma_start3A_81] : memref<10240x128xf32, #tpu.memory_space<vmem_shared>> -> memref<10240x128xf32, #tpu.memory_space<vmem_shared>>
      tpu.enqueue_indirect_dma source(%dma_start3A_82 : memref<10240x128xf32, #tpu.memory_space<vmem_shared>>) target(%dma_start3A_76 : memref<128x128xf32, #tpu.memory_space<vmem>>) offsets(%dma_start3A_79 : memref<128xi32, #tpu.memory_space<vmem>>) semaphore(%run_scoped3A_72 : memref<!tpu.dma_semaphore, #tpu.memory_space<semaphore_mem>>)
      %dma_wait3A = arith.constant 0 : i32
      %dma_wait3A_83 = arith.constant 0 : i32
      %dma_wait3A_84 = tpu.memref_slice %arg8[%run_scoped3A_49, %dma_wait3A, %dma_wait3A_83] : memref<2x128x128xf32, #tpu.memory_space<vmem>> -> memref<1x128x128xf32, #tpu.memory_space<vmem>>
      %dma_wait3A_85 = tpu.memref_squeeze %dma_wait3A_84 : memref<1x128x128xf32, #tpu.memory_space<vmem>> -> memref<128x128xf32, #tpu.memory_space<vmem>>
      %dma_wait3A_86 = arith.constant 0 : i32
      %dma_wait3A_87 = tpu.memref_slice %arg12[%run_scoped3A_48, %dma_wait3A_86] : memref<8x128xi32, #tpu.memory_space<vmem>> -> memref<1x128xi32, #tpu.memory_space<vmem>>
      %dma_wait3A_88 = tpu.memref_squeeze %dma_wait3A_87 : memref<1x128xi32, #tpu.memory_space<vmem>> -> memref<128xi32, #tpu.memory_space<vmem>>
      %dma_wait3A_89 = arith.constant 0 : i32
      %dma_wait3A_90 = arith.constant 0 : i32
      %dma_wait3A_91 = tpu.memref_slice %arg17[%dma_wait3A_89, %dma_wait3A_90] : memref<10240x128xf32, #tpu.memory_space<vmem_shared>> -> memref<10240x128xf32, #tpu.memory_space<vmem_shared>>
      tpu.wait_indirect_dma semaphore(%run_scoped3A_72 : memref<!tpu.dma_semaphore, #tpu.memory_space<semaphore_mem>>) src(%dma_wait3A_91 : memref<10240x128xf32, #tpu.memory_space<vmem_shared>>) dst(%dma_wait3A_85 : memref<128x128xf32, #tpu.memory_space<vmem>>)
      tpu.yield
    }) : () -> ()
    %run_scoped3A_50 = arith.constant 0 : i32
    "tpu.region"() ({
      %run_scoped3A_72 = tpu.sem_alloc : memref<!tpu.dma_semaphore, #tpu.memory_space<semaphore_mem>>
      %dma_start3A_73 = arith.constant 0 : i32
      %dma_start3A_74 = arith.constant 0 : i32
      %dma_start3A_75 = tpu.memref_slice %arg8[%run_scoped3A_50, %dma_start3A_73, %dma_start3A_74] : memref<2x128x128xf32, #tpu.memory_space<vmem>> -> memref<1x128x128xf32, #tpu.memory_space<vmem>>
      %dma_start3A_76 = tpu.memref_squeeze %dma_start3A_75 : memref<1x128x128xf32, #tpu.memory_space<vmem>> -> memref<128x128xf32, #tpu.memory_space<vmem>>
      %dma_start3A_77 = arith.constant 0 : i32
      %dma_start3A_78 = tpu.memref_slice %arg7[%arg0, %add3A_47, %dma_start3A_77] : memref<2x10240x128xf32, #tpu.memory_space<hbm>> -> memref<1x128x128xf32, #tpu.memory_space<hbm>>
      %dma_start3A_79 = tpu.memref_squeeze %dma_start3A_78 : memref<1x128x128xf32, #tpu.memory_space<hbm>> -> memref<128x128xf32, #tpu.memory_space<hbm>>
      %dma_start3A_80 = arith.constant 0 : i32
      %dma_start3A_81 = tpu.memref_slice %arg7[%arg0, %add3A_47, %dma_start3A_80] : memref<2x10240x128xf32, #tpu.memory_space<hbm>> -> memref<1x128x128xf32, #tpu.memory_space<hbm>>
      %dma_start3A_82 = tpu.memref_squeeze %dma_start3A_81 : memref<1x128x128xf32, #tpu.memory_space<hbm>> -> memref<128x128xf32, #tpu.memory_space<hbm>>
      %dma_start3A_83 = arith.constant 0 : i32
      %dma_start3A_84 = arith.constant 0 : i32
      %dma_start3A_85 = tpu.memref_slice %arg8[%run_scoped3A_50, %dma_start3A_83, %dma_start3A_84] : memref<2x128x128xf32, #tpu.memory_space<vmem>> -> memref<1x128x128xf32, #tpu.memory_space<vmem>>
      %dma_start3A_86 = tpu.memref_squeeze %dma_start3A_85 : memref<1x128x128xf32, #tpu.memory_space<vmem>> -> memref<128x128xf32, #tpu.memory_space<vmem>>
      tpu.enqueue_dma source(%dma_start3A_86 : memref<128x128xf32, #tpu.memory_space<vmem>>) target(%dma_start3A_82 : memref<128x128xf32, #tpu.memory_space<hbm>>) target_semaphore(%run_scoped3A_72 : memref<!tpu.dma_semaphore, #tpu.memory_space<semaphore_mem>>)
      %dma_wait3A = arith.constant 0 : i32
      %dma_wait3A_87 = arith.constant 0 : i32
      %dma_wait3A_88 = tpu.memref_slice %arg8[%run_scoped3A_50, %dma_wait3A, %dma_wait3A_87] : memref<2x128x128xf32, #tpu.memory_space<vmem>> -> memref<1x128x128xf32, #tpu.memory_space<vmem>>
      %dma_wait3A_89 = tpu.memref_squeeze %dma_wait3A_88 : memref<1x128x128xf32, #tpu.memory_space<vmem>> -> memref<128x128xf32, #tpu.memory_space<vmem>>
      %dma_wait3A_90 = arith.constant 0 : i32
      %dma_wait3A_91 = tpu.memref_slice %arg7[%arg0, %add3A_47, %dma_wait3A_90] : memref<2x10240x128xf32, #tpu.memory_space<hbm>> -> memref<1x128x128xf32, #tpu.memory_space<hbm>>
      %dma_wait3A_92 = tpu.memref_squeeze %dma_wait3A_91 : memref<1x128x128xf32, #tpu.memory_space<hbm>> -> memref<128x128xf32, #tpu.memory_space<hbm>>
      %dma_wait3A_93 = arith.constant 0 : i32
      %dma_wait3A_94 = tpu.memref_slice %arg7[%arg0, %add3A_47, %dma_wait3A_93] : memref<2x10240x128xf32, #tpu.memory_space<hbm>> -> memref<1x128x128xf32, #tpu.memory_space<hbm>>
      %dma_wait3A_95 = tpu.memref_squeeze %dma_wait3A_94 : memref<1x128x128xf32, #tpu.memory_space<hbm>> -> memref<128x128xf32, #tpu.memory_space<hbm>>
      %dma_wait3A_96 = arith.constant 0 : i32
      %dma_wait3A_97 = arith.constant 0 : i32
      %dma_wait3A_98 = tpu.memref_slice %arg8[%run_scoped3A_50, %dma_wait3A_96, %dma_wait3A_97] : memref<2x128x128xf32, #tpu.memory_space<vmem>> -> memref<1x128x128xf32, #tpu.memory_space<vmem>>
      %dma_wait3A_99 = tpu.memref_squeeze %dma_wait3A_98 : memref<1x128x128xf32, #tpu.memory_space<vmem>> -> memref<128x128xf32, #tpu.memory_space<vmem>>
      tpu.wait_dma2 semaphore(%run_scoped3A_72 : memref<!tpu.dma_semaphore, #tpu.memory_space<semaphore_mem>>) src(%dma_wait3A_99 : memref<128x128xf32, #tpu.memory_space<vmem>>) dst(%dma_wait3A_95 : memref<128x128xf32, #tpu.memory_space<hbm>>)
      tpu.yield
    }) : () -> ()
    %mul3A_51 = arith.constant 640 : i32
    %mul3A_52 = arith.muli %arg1, %mul3A_51 : i32
    %add3A_53 = arith.constant 256 : i32
    %add3A_54 = arith.addi %mul3A_52, %add3A_53 : i32
    %run_scoped3A_55 = arith.constant 2 : i32
    %run_scoped3A_56 = arith.constant 0 : i32
    "tpu.region"() ({
      %run_scoped3A_72 = tpu.sem_alloc : memref<!tpu.dma_semaphore, #tpu.memory_space<semaphore_mem>>
      %dma_start3A_73 = arith.constant 0 : i32
      %dma_start3A_74 = arith.constant 0 : i32
      %dma_start3A_75 = tpu.memref_slice %arg8[%run_scoped3A_56, %dma_start3A_73, %dma_start3A_74] : memref<2x128x128xf32, #tpu.memory_space<vmem>> -> memref<1x128x128xf32, #tpu.memory_space<vmem>>
      %dma_start3A_76 = tpu.memref_squeeze %dma_start3A_75 : memref<1x128x128xf32, #tpu.memory_space<vmem>> -> memref<128x128xf32, #tpu.memory_space<vmem>>
      %dma_start3A_77 = arith.constant 0 : i32
      %dma_start3A_78 = tpu.memref_slice %arg12[%run_scoped3A_55, %dma_start3A_77] : memref<8x128xi32, #tpu.memory_space<vmem>> -> memref<1x128xi32, #tpu.memory_space<vmem>>
      %dma_start3A_79 = tpu.memref_squeeze %dma_start3A_78 : memref<1x128xi32, #tpu.memory_space<vmem>> -> memref<128xi32, #tpu.memory_space<vmem>>
      %dma_start3A_80 = arith.constant 0 : i32
      %dma_start3A_81 = arith.constant 0 : i32
      %dma_start3A_82 = tpu.memref_slice %arg17[%dma_start3A_80, %dma_start3A_81] : memref<10240x128xf32, #tpu.memory_space<vmem_shared>> -> memref<10240x128xf32, #tpu.memory_space<vmem_shared>>
      tpu.enqueue_indirect_dma source(%dma_start3A_82 : memref<10240x128xf32, #tpu.memory_space<vmem_shared>>) target(%dma_start3A_76 : memref<128x128xf32, #tpu.memory_space<vmem>>) offsets(%dma_start3A_79 : memref<128xi32, #tpu.memory_space<vmem>>) semaphore(%run_scoped3A_72 : memref<!tpu.dma_semaphore, #tpu.memory_space<semaphore_mem>>)
      %dma_wait3A = arith.constant 0 : i32
      %dma_wait3A_83 = arith.constant 0 : i32
      %dma_wait3A_84 = tpu.memref_slice %arg8[%run_scoped3A_56, %dma_wait3A, %dma_wait3A_83] : memref<2x128x128xf32, #tpu.memory_space<vmem>> -> memref<1x128x128xf32, #tpu.memory_space<vmem>>
      %dma_wait3A_85 = tpu.memref_squeeze %dma_wait3A_84 : memref<1x128x128xf32, #tpu.memory_space<vmem>> -> memref<128x128xf32, #tpu.memory_space<vmem>>
      %dma_wait3A_86 = arith.constant 0 : i32
      %dma_wait3A_87 = tpu.memref_slice %arg12[%run_scoped3A_55, %dma_wait3A_86] : memref<8x128xi32, #tpu.memory_space<vmem>> -> memref<1x128xi32, #tpu.memory_space<vmem>>
      %dma_wait3A_88 = tpu.memref_squeeze %dma_wait3A_87 : memref<1x128xi32, #tpu.memory_space<vmem>> -> memref<128xi32, #tpu.memory_space<vmem>>
      %dma_wait3A_89 = arith.constant 0 : i32
      %dma_wait3A_90 = arith.constant 0 : i32
      %dma_wait3A_91 = tpu.memref_slice %arg17[%dma_wait3A_89, %dma_wait3A_90] : memref<10240x128xf32, #tpu.memory_space<vmem_shared>> -> memref<10240x128xf32, #tpu.memory_space<vmem_shared>>
      tpu.wait_indirect_dma semaphore(%run_scoped3A_72 : memref<!tpu.dma_semaphore, #tpu.memory_space<semaphore_mem>>) src(%dma_wait3A_91 : memref<10240x128xf32, #tpu.memory_space<vmem_shared>>) dst(%dma_wait3A_85 : memref<128x128xf32, #tpu.memory_space<vmem>>)
      tpu.yield
    }) : () -> ()
    %run_scoped3A_57 = arith.constant 0 : i32
    "tpu.region"() ({
      %run_scoped3A_72 = tpu.sem_alloc : memref<!tpu.dma_semaphore, #tpu.memory_space<semaphore_mem>>
      %dma_start3A_73 = arith.constant 0 : i32
      %dma_start3A_74 = arith.constant 0 : i32
      %dma_start3A_75 = tpu.memref_slice %arg8[%run_scoped3A_57, %dma_start3A_73, %dma_start3A_74] : memref<2x128x128xf32, #tpu.memory_space<vmem>> -> memref<1x128x128xf32, #tpu.memory_space<vmem>>
      %dma_start3A_76 = tpu.memref_squeeze %dma_start3A_75 : memref<1x128x128xf32, #tpu.memory_space<vmem>> -> memref<128x128xf32, #tpu.memory_space<vmem>>
      %dma_start3A_77 = arith.constant 0 : i32
      %dma_start3A_78 = tpu.memref_slice %arg7[%arg0, %add3A_54, %dma_start3A_77] : memref<2x10240x128xf32, #tpu.memory_space<hbm>> -> memref<1x128x128xf32, #tpu.memory_space<hbm>>
      %dma_start3A_79 = tpu.memref_squeeze %dma_start3A_78 : memref<1x128x128xf32, #tpu.memory_space<hbm>> -> memref<128x128xf32, #tpu.memory_space<hbm>>
      %dma_start3A_80 = arith.constant 0 : i32
      %dma_start3A_81 = tpu.memref_slice %arg7[%arg0, %add3A_54, %dma_start3A_80] : memref<2x10240x128xf32, #tpu.memory_space<hbm>> -> memref<1x128x128xf32, #tpu.memory_space<hbm>>
      %dma_start3A_82 = tpu.memref_squeeze %dma_start3A_81 : memref<1x128x128xf32, #tpu.memory_space<hbm>> -> memref<128x128xf32, #tpu.memory_space<hbm>>
      %dma_start3A_83 = arith.constant 0 : i32
      %dma_start3A_84 = arith.constant 0 : i32
      %dma_start3A_85 = tpu.memref_slice %arg8[%run_scoped3A_57, %dma_start3A_83, %dma_start3A_84] : memref<2x128x128xf32, #tpu.memory_space<vmem>> -> memref<1x128x128xf32, #tpu.memory_space<vmem>>
      %dma_start3A_86 = tpu.memref_squeeze %dma_start3A_85 : memref<1x128x128xf32, #tpu.memory_space<vmem>> -> memref<128x128xf32, #tpu.memory_space<vmem>>
      tpu.enqueue_dma source(%dma_start3A_86 : memref<128x128xf32, #tpu.memory_space<vmem>>) target(%dma_start3A_82 : memref<128x128xf32, #tpu.memory_space<hbm>>) target_semaphore(%run_scoped3A_72 : memref<!tpu.dma_semaphore, #tpu.memory_space<semaphore_mem>>)
      %dma_wait3A = arith.constant 0 : i32
      %dma_wait3A_87 = arith.constant 0 : i32
      %dma_wait3A_88 = tpu.memref_slice %arg8[%run_scoped3A_57, %dma_wait3A, %dma_wait3A_87] : memref<2x128x128xf32, #tpu.memory_space<vmem>> -> memref<1x128x128xf32, #tpu.memory_space<vmem>>
      %dma_wait3A_89 = tpu.memref_squeeze %dma_wait3A_88 : memref<1x128x128xf32, #tpu.memory_space<vmem>> -> memref<128x128xf32, #tpu.memory_space<vmem>>
      %dma_wait3A_90 = arith.constant 0 : i32
      %dma_wait3A_91 = tpu.memref_slice %arg7[%arg0, %add3A_54, %dma_wait3A_90] : memref<2x10240x128xf32, #tpu.memory_space<hbm>> -> memref<1x128x128xf32, #tpu.memory_space<hbm>>
      %dma_wait3A_92 = tpu.memref_squeeze %dma_wait3A_91 : memref<1x128x128xf32, #tpu.memory_space<hbm>> -> memref<128x128xf32, #tpu.memory_space<hbm>>
      %dma_wait3A_93 = arith.constant 0 : i32
      %dma_wait3A_94 = tpu.memref_slice %arg7[%arg0, %add3A_54, %dma_wait3A_93] : memref<2x10240x128xf32, #tpu.memory_space<hbm>> -> memref<1x128x128xf32, #tpu.memory_space<hbm>>
      %dma_wait3A_95 = tpu.memref_squeeze %dma_wait3A_94 : memref<1x128x128xf32, #tpu.memory_space<hbm>> -> memref<128x128xf32, #tpu.memory_space<hbm>>
      %dma_wait3A_96 = arith.constant 0 : i32
      %dma_wait3A_97 = arith.constant 0 : i32
      %dma_wait3A_98 = tpu.memref_slice %arg8[%run_scoped3A_57, %dma_wait3A_96, %dma_wait3A_97] : memref<2x128x128xf32, #tpu.memory_space<vmem>> -> memref<1x128x128xf32, #tpu.memory_space<vmem>>
      %dma_wait3A_99 = tpu.memref_squeeze %dma_wait3A_98 : memref<1x128x128xf32, #tpu.memory_space<vmem>> -> memref<128x128xf32, #tpu.memory_space<vmem>>
      tpu.wait_dma2 semaphore(%run_scoped3A_72 : memref<!tpu.dma_semaphore, #tpu.memory_space<semaphore_mem>>) src(%dma_wait3A_99 : memref<128x128xf32, #tpu.memory_space<vmem>>) dst(%dma_wait3A_95 : memref<128x128xf32, #tpu.memory_space<hbm>>)
      tpu.yield
    }) : () -> ()
    %mul3A_58 = arith.constant 640 : i32
    %mul3A_59 = arith.muli %arg1, %mul3A_58 : i32
    %add3A_60 = arith.constant 384 : i32
    %add3A_61 = arith.addi %mul3A_59, %add3A_60 : i32
    %run_scoped3A_62 = arith.constant 3 : i32
    %run_scoped3A_63 = arith.constant 0 : i32
    "tpu.region"() ({
      %run_scoped3A_72 = tpu.sem_alloc : memref<!tpu.dma_semaphore, #tpu.memory_space<semaphore_mem>>
      %dma_start3A_73 = arith.constant 0 : i32
      %dma_start3A_74 = arith.constant 0 : i32
      %dma_start3A_75 = tpu.memref_slice %arg8[%run_scoped3A_63, %dma_start3A_73, %dma_start3A_74] : memref<2x128x128xf32, #tpu.memory_space<vmem>> -> memref<1x128x128xf32, #tpu.memory_space<vmem>>
      %dma_start3A_76 = tpu.memref_squeeze %dma_start3A_75 : memref<1x128x128xf32, #tpu.memory_space<vmem>> -> memref<128x128xf32, #tpu.memory_space<vmem>>
      %dma_start3A_77 = arith.constant 0 : i32
      %dma_start3A_78 = tpu.memref_slice %arg12[%run_scoped3A_62, %dma_start3A_77] : memref<8x128xi32, #tpu.memory_space<vmem>> -> memref<1x128xi32, #tpu.memory_space<vmem>>
      %dma_start3A_79 = tpu.memref_squeeze %dma_start3A_78 : memref<1x128xi32, #tpu.memory_space<vmem>> -> memref<128xi32, #tpu.memory_space<vmem>>
      %dma_start3A_80 = arith.constant 0 : i32
      %dma_start3A_81 = arith.constant 0 : i32
      %dma_start3A_82 = tpu.memref_slice %arg17[%dma_start3A_80, %dma_start3A_81] : memref<10240x128xf32, #tpu.memory_space<vmem_shared>> -> memref<10240x128xf32, #tpu.memory_space<vmem_shared>>
      tpu.enqueue_indirect_dma source(%dma_start3A_82 : memref<10240x128xf32, #tpu.memory_space<vmem_shared>>) target(%dma_start3A_76 : memref<128x128xf32, #tpu.memory_space<vmem>>) offsets(%dma_start3A_79 : memref<128xi32, #tpu.memory_space<vmem>>) semaphore(%run_scoped3A_72 : memref<!tpu.dma_semaphore, #tpu.memory_space<semaphore_mem>>)
      %dma_wait3A = arith.constant 0 : i32
      %dma_wait3A_83 = arith.constant 0 : i32
      %dma_wait3A_84 = tpu.memref_slice %arg8[%run_scoped3A_63, %dma_wait3A, %dma_wait3A_83] : memref<2x128x128xf32, #tpu.memory_space<vmem>> -> memref<1x128x128xf32, #tpu.memory_space<vmem>>
      %dma_wait3A_85 = tpu.memref_squeeze %dma_wait3A_84 : memref<1x128x128xf32, #tpu.memory_space<vmem>> -> memref<128x128xf32, #tpu.memory_space<vmem>>
      %dma_wait3A_86 = arith.constant 0 : i32
      %dma_wait3A_87 = tpu.memref_slice %arg12[%run_scoped3A_62, %dma_wait3A_86] : memref<8x128xi32, #tpu.memory_space<vmem>> -> memref<1x128xi32, #tpu.memory_space<vmem>>
      %dma_wait3A_88 = tpu.memref_squeeze %dma_wait3A_87 : memref<1x128xi32, #tpu.memory_space<vmem>> -> memref<128xi32, #tpu.memory_space<vmem>>
      %dma_wait3A_89 = arith.constant 0 : i32
      %dma_wait3A_90 = arith.constant 0 : i32
      %dma_wait3A_91 = tpu.memref_slice %arg17[%dma_wait3A_89, %dma_wait3A_90] : memref<10240x128xf32, #tpu.memory_space<vmem_shared>> -> memref<10240x128xf32, #tpu.memory_space<vmem_shared>>
      tpu.wait_indirect_dma semaphore(%run_scoped3A_72 : memref<!tpu.dma_semaphore, #tpu.memory_space<semaphore_mem>>) src(%dma_wait3A_91 : memref<10240x128xf32, #tpu.memory_space<vmem_shared>>) dst(%dma_wait3A_85 : memref<128x128xf32, #tpu.memory_space<vmem>>)
      tpu.yield
    }) : () -> ()
    %run_scoped3A_64 = arith.constant 0 : i32
    "tpu.region"() ({
      %run_scoped3A_72 = tpu.sem_alloc : memref<!tpu.dma_semaphore, #tpu.memory_space<semaphore_mem>>
      %dma_start3A_73 = arith.constant 0 : i32
      %dma_start3A_74 = arith.constant 0 : i32
      %dma_start3A_75 = tpu.memref_slice %arg8[%run_scoped3A_64, %dma_start3A_73, %dma_start3A_74] : memref<2x128x128xf32, #tpu.memory_space<vmem>> -> memref<1x128x128xf32, #tpu.memory_space<vmem>>
      %dma_start3A_76 = tpu.memref_squeeze %dma_start3A_75 : memref<1x128x128xf32, #tpu.memory_space<vmem>> -> memref<128x128xf32, #tpu.memory_space<vmem>>
      %dma_start3A_77 = arith.constant 0 : i32
      %dma_start3A_78 = tpu.memref_slice %arg7[%arg0, %add3A_61, %dma_start3A_77] : memref<2x10240x128xf32, #tpu.memory_space<hbm>> -> memref<1x128x128xf32, #tpu.memory_space<hbm>>
      %dma_start3A_79 = tpu.memref_squeeze %dma_start3A_78 : memref<1x128x128xf32, #tpu.memory_space<hbm>> -> memref<128x128xf32, #tpu.memory_space<hbm>>
      %dma_start3A_80 = arith.constant 0 : i32
      %dma_start3A_81 = tpu.memref_slice %arg7[%arg0, %add3A_61, %dma_start3A_80] : memref<2x10240x128xf32, #tpu.memory_space<hbm>> -> memref<1x128x128xf32, #tpu.memory_space<hbm>>
      %dma_start3A_82 = tpu.memref_squeeze %dma_start3A_81 : memref<1x128x128xf32, #tpu.memory_space<hbm>> -> memref<128x128xf32, #tpu.memory_space<hbm>>
      %dma_start3A_83 = arith.constant 0 : i32
      %dma_start3A_84 = arith.constant 0 : i32
      %dma_start3A_85 = tpu.memref_slice %arg8[%run_scoped3A_64, %dma_start3A_83, %dma_start3A_84] : memref<2x128x128xf32, #tpu.memory_space<vmem>> -> memref<1x128x128xf32, #tpu.memory_space<vmem>>
      %dma_start3A_86 = tpu.memref_squeeze %dma_start3A_85 : memref<1x128x128xf32, #tpu.memory_space<vmem>> -> memref<128x128xf32, #tpu.memory_space<vmem>>
      tpu.enqueue_dma source(%dma_start3A_86 : memref<128x128xf32, #tpu.memory_space<vmem>>) target(%dma_start3A_82 : memref<128x128xf32, #tpu.memory_space<hbm>>) target_semaphore(%run_scoped3A_72 : memref<!tpu.dma_semaphore, #tpu.memory_space<semaphore_mem>>)
      %dma_wait3A = arith.constant 0 : i32
      %dma_wait3A_87 = arith.constant 0 : i32
      %dma_wait3A_88 = tpu.memref_slice %arg8[%run_scoped3A_64, %dma_wait3A, %dma_wait3A_87] : memref<2x128x128xf32, #tpu.memory_space<vmem>> -> memref<1x128x128xf32, #tpu.memory_space<vmem>>
      %dma_wait3A_89 = tpu.memref_squeeze %dma_wait3A_88 : memref<1x128x128xf32, #tpu.memory_space<vmem>> -> memref<128x128xf32, #tpu.memory_space<vmem>>
      %dma_wait3A_90 = arith.constant 0 : i32
      %dma_wait3A_91 = tpu.memref_slice %arg7[%arg0, %add3A_61, %dma_wait3A_90] : memref<2x10240x128xf32, #tpu.memory_space<hbm>> -> memref<1x128x128xf32, #tpu.memory_space<hbm>>
      %dma_wait3A_92 = tpu.memref_squeeze %dma_wait3A_91 : memref<1x128x128xf32, #tpu.memory_space<hbm>> -> memref<128x128xf32, #tpu.memory_space<hbm>>
      %dma_wait3A_93 = arith.constant 0 : i32
      %dma_wait3A_94 = tpu.memref_slice %arg7[%arg0, %add3A_61, %dma_wait3A_93] : memref<2x10240x128xf32, #tpu.memory_space<hbm>> -> memref<1x128x128xf32, #tpu.memory_space<hbm>>
      %dma_wait3A_95 = tpu.memref_squeeze %dma_wait3A_94 : memref<1x128x128xf32, #tpu.memory_space<hbm>> -> memref<128x128xf32, #tpu.memory_space<hbm>>
      %dma_wait3A_96 = arith.constant 0 : i32
      %dma_wait3A_97 = arith.constant 0 : i32
      %dma_wait3A_98 = tpu.memref_slice %arg8[%run_scoped3A_64, %dma_wait3A_96, %dma_wait3A_97] : memref<2x128x128xf32, #tpu.memory_space<vmem>> -> memref<1x128x128xf32, #tpu.memory_space<vmem>>
      %dma_wait3A_99 = tpu.memref_squeeze %dma_wait3A_98 : memref<1x128x128xf32, #tpu.memory_space<vmem>> -> memref<128x128xf32, #tpu.memory_space<vmem>>
      tpu.wait_dma2 semaphore(%run_scoped3A_72 : memref<!tpu.dma_semaphore, #tpu.memory_space<semaphore_mem>>) src(%dma_wait3A_99 : memref<128x128xf32, #tpu.memory_space<vmem>>) dst(%dma_wait3A_95 : memref<128x128xf32, #tpu.memory_space<hbm>>)
      tpu.yield
    }) : () -> ()
    %mul3A_65 = arith.constant 640 : i32
    %mul3A_66 = arith.muli %arg1, %mul3A_65 : i32
    %add3A_67 = arith.constant 512 : i32
    %add3A_68 = arith.addi %mul3A_66, %add3A_67 : i32
    %run_scoped3A_69 = arith.constant 4 : i32
    %run_scoped3A_70 = arith.constant 0 : i32
    "tpu.region"() ({
      %run_scoped3A_72 = tpu.sem_alloc : memref<!tpu.dma_semaphore, #tpu.memory_space<semaphore_mem>>
      %dma_start3A_73 = arith.constant 0 : i32
      %dma_start3A_74 = arith.constant 0 : i32
      %dma_start3A_75 = tpu.memref_slice %arg8[%run_scoped3A_70, %dma_start3A_73, %dma_start3A_74] : memref<2x128x128xf32, #tpu.memory_space<vmem>> -> memref<1x128x128xf32, #tpu.memory_space<vmem>>
      %dma_start3A_76 = tpu.memref_squeeze %dma_start3A_75 : memref<1x128x128xf32, #tpu.memory_space<vmem>> -> memref<128x128xf32, #tpu.memory_space<vmem>>
      %dma_start3A_77 = arith.constant 0 : i32
      %dma_start3A_78 = tpu.memref_slice %arg12[%run_scoped3A_69, %dma_start3A_77] : memref<8x128xi32, #tpu.memory_space<vmem>> -> memref<1x128xi32, #tpu.memory_space<vmem>>
      %dma_start3A_79 = tpu.memref_squeeze %dma_start3A_78 : memref<1x128xi32, #tpu.memory_space<vmem>> -> memref<128xi32, #tpu.memory_space<vmem>>
      %dma_start3A_80 = arith.constant 0 : i32
      %dma_start3A_81 = arith.constant 0 : i32
      %dma_start3A_82 = tpu.memref_slice %arg17[%dma_start3A_80, %dma_start3A_81] : memref<10240x128xf32, #tpu.memory_space<vmem_shared>> -> memref<10240x128xf32, #tpu.memory_space<vmem_shared>>
      tpu.enqueue_indirect_dma source(%dma_start3A_82 : memref<10240x128xf32, #tpu.memory_space<vmem_shared>>) target(%dma_start3A_76 : memref<128x128xf32, #tpu.memory_space<vmem>>) offsets(%dma_start3A_79 : memref<128xi32, #tpu.memory_space<vmem>>) semaphore(%run_scoped3A_72 : memref<!tpu.dma_semaphore, #tpu.memory_space<semaphore_mem>>)
      %dma_wait3A = arith.constant 0 : i32
      %dma_wait3A_83 = arith.constant 0 : i32
      %dma_wait3A_84 = tpu.memref_slice %arg8[%run_scoped3A_70, %dma_wait3A, %dma_wait3A_83] : memref<2x128x128xf32, #tpu.memory_space<vmem>> -> memref<1x128x128xf32, #tpu.memory_space<vmem>>
      %dma_wait3A_85 = tpu.memref_squeeze %dma_wait3A_84 : memref<1x128x128xf32, #tpu.memory_space<vmem>> -> memref<128x128xf32, #tpu.memory_space<vmem>>
      %dma_wait3A_86 = arith.constant 0 : i32
      %dma_wait3A_87 = tpu.memref_slice %arg12[%run_scoped3A_69, %dma_wait3A_86] : memref<8x128xi32, #tpu.memory_space<vmem>> -> memref<1x128xi32, #tpu.memory_space<vmem>>
      %dma_wait3A_88 = tpu.memref_squeeze %dma_wait3A_87 : memref<1x128xi32, #tpu.memory_space<vmem>> -> memref<128xi32, #tpu.memory_space<vmem>>
      %dma_wait3A_89 = arith.constant 0 : i32
      %dma_wait3A_90 = arith.constant 0 : i32
      %dma_wait3A_91 = tpu.memref_slice %arg17[%dma_wait3A_89, %dma_wait3A_90] : memref<10240x128xf32, #tpu.memory_space<vmem_shared>> -> memref<10240x128xf32, #tpu.memory_space<vmem_shared>>
      tpu.wait_indirect_dma semaphore(%run_scoped3A_72 : memref<!tpu.dma_semaphore, #tpu.memory_space<semaphore_mem>>) src(%dma_wait3A_91 : memref<10240x128xf32, #tpu.memory_space<vmem_shared>>) dst(%dma_wait3A_85 : memref<128x128xf32, #tpu.memory_space<vmem>>)
      tpu.yield
    }) : () -> ()
    %run_scoped3A_71 = arith.constant 0 : i32
    "tpu.region"() ({
      %run_scoped3A_72 = tpu.sem_alloc : memref<!tpu.dma_semaphore, #tpu.memory_space<semaphore_mem>>
      %dma_start3A_73 = arith.constant 0 : i32
      %dma_start3A_74 = arith.constant 0 : i32
      %dma_start3A_75 = tpu.memref_slice %arg8[%run_scoped3A_71, %dma_start3A_73, %dma_start3A_74] : memref<2x128x128xf32, #tpu.memory_space<vmem>> -> memref<1x128x128xf32, #tpu.memory_space<vmem>>
      %dma_start3A_76 = tpu.memref_squeeze %dma_start3A_75 : memref<1x128x128xf32, #tpu.memory_space<vmem>> -> memref<128x128xf32, #tpu.memory_space<vmem>>
      %dma_start3A_77 = arith.constant 0 : i32
      %dma_start3A_78 = tpu.memref_slice %arg7[%arg0, %add3A_68, %dma_start3A_77] : memref<2x10240x128xf32, #tpu.memory_space<hbm>> -> memref<1x128x128xf32, #tpu.memory_space<hbm>>
      %dma_start3A_79 = tpu.memref_squeeze %dma_start3A_78 : memref<1x128x128xf32, #tpu.memory_space<hbm>> -> memref<128x128xf32, #tpu.memory_space<hbm>>
      %dma_start3A_80 = arith.constant 0 : i32
      %dma_start3A_81 = tpu.memref_slice %arg7[%arg0, %add3A_68, %dma_start3A_80] : memref<2x10240x128xf32, #tpu.memory_space<hbm>> -> memref<1x128x128xf32, #tpu.memory_space<hbm>>
      %dma_start3A_82 = tpu.memref_squeeze %dma_start3A_81 : memref<1x128x128xf32, #tpu.memory_space<hbm>> -> memref<128x128xf32, #tpu.memory_space<hbm>>
      %dma_start3A_83 = arith.constant 0 : i32
      %dma_start3A_84 = arith.constant 0 : i32
      %dma_start3A_85 = tpu.memref_slice %arg8[%run_scoped3A_71, %dma_start3A_83, %dma_start3A_84] : memref<2x128x128xf32, #tpu.memory_space<vmem>> -> memref<1x128x128xf32, #tpu.memory_space<vmem>>
      %dma_start3A_86 = tpu.memref_squeeze %dma_start3A_85 : memref<1x128x128xf32, #tpu.memory_space<vmem>> -> memref<128x128xf32, #tpu.memory_space<vmem>>
      tpu.enqueue_dma source(%dma_start3A_86 : memref<128x128xf32, #tpu.memory_space<vmem>>) target(%dma_start3A_82 : memref<128x128xf32, #tpu.memory_space<hbm>>) target_semaphore(%run_scoped3A_72 : memref<!tpu.dma_semaphore, #tpu.memory_space<semaphore_mem>>)
      %dma_wait3A = arith.constant 0 : i32
      %dma_wait3A_87 = arith.constant 0 : i32
      %dma_wait3A_88 = tpu.memref_slice %arg8[%run_scoped3A_71, %dma_wait3A, %dma_wait3A_87] : memref<2x128x128xf32, #tpu.memory_space<vmem>> -> memref<1x128x128xf32, #tpu.memory_space<vmem>>
      %dma_wait3A_89 = tpu.memref_squeeze %dma_wait3A_88 : memref<1x128x128xf32, #tpu.memory_space<vmem>> -> memref<128x128xf32, #tpu.memory_space<vmem>>
      %dma_wait3A_90 = arith.constant 0 : i32
      %dma_wait3A_91 = tpu.memref_slice %arg7[%arg0, %add3A_68, %dma_wait3A_90] : memref<2x10240x128xf32, #tpu.memory_space<hbm>> -> memref<1x128x128xf32, #tpu.memory_space<hbm>>
      %dma_wait3A_92 = tpu.memref_squeeze %dma_wait3A_91 : memref<1x128x128xf32, #tpu.memory_space<hbm>> -> memref<128x128xf32, #tpu.memory_space<hbm>>
      %dma_wait3A_93 = arith.constant 0 : i32
      %dma_wait3A_94 = tpu.memref_slice %arg7[%arg0, %add3A_68, %dma_wait3A_93] : memref<2x10240x128xf32, #tpu.memory_space<hbm>> -> memref<1x128x128xf32, #tpu.memory_space<hbm>>
      %dma_wait3A_95 = tpu.memref_squeeze %dma_wait3A_94 : memref<1x128x128xf32, #tpu.memory_space<hbm>> -> memref<128x128xf32, #tpu.memory_space<hbm>>
      %dma_wait3A_96 = arith.constant 0 : i32
      %dma_wait3A_97 = arith.constant 0 : i32
      %dma_wait3A_98 = tpu.memref_slice %arg8[%run_scoped3A_71, %dma_wait3A_96, %dma_wait3A_97] : memref<2x128x128xf32, #tpu.memory_space<vmem>> -> memref<1x128x128xf32, #tpu.memory_space<vmem>>
      %dma_wait3A_99 = tpu.memref_squeeze %dma_wait3A_98 : memref<1x128x128xf32, #tpu.memory_space<vmem>> -> memref<128x128xf32, #tpu.memory_space<vmem>>
      tpu.wait_dma2 semaphore(%run_scoped3A_72 : memref<!tpu.dma_semaphore, #tpu.memory_space<semaphore_mem>>) src(%dma_wait3A_99 : memref<128x128xf32, #tpu.memory_space<vmem>>) dst(%dma_wait3A_95 : memref<128x128xf32, #tpu.memory_space<hbm>>)
      tpu.yield
    }) : () -> ()
    return
  }
}

module attributes {stable_mosaic.version = 14 : i64} {
  func.func @_mm_body(%arg0: i32, %arg1: memref<1280x128xf32, #tpu.memory_space<vmem>>, %arg2: memref<128x128xf32, #tpu.memory_space<vmem>>, %arg3: memref<1280x1xf32, #tpu.memory_space<vmem>>, %arg4: memref<1280x1xf32, #tpu.memory_space<vmem>>, %arg5: memref<1280x128xf32, #tpu.memory_space<vmem>>, %arg6: memref<1280x128xf32, #tpu.memory_space<vmem>>) attributes {dimension_semantics = [#tpu.dimension_semantics<arbitrary>], iteration_bounds = array<i64: 8>, scalar_prefetch = 0 : i64, scratch_operands = 0 : i64, tpu.core_type = #tpu.core_type<tc>, window_params = [{transform_indices = @transform_0, window_bounds = array<i64: 1280, 128>}, {pipeline_mode = #tpu.pipeline_mode<synchronous>, transform_indices = @transform_1, window_bounds = array<i64: 128, 128>}, {transform_indices = @transform_2, window_bounds = array<i64: 1280, 1>}, {transform_indices = @transform_3, window_bounds = array<i64: 1280, 1>}, {transform_indices = @transform_4, window_bounds = array<i64: 1280, 128>}, {transform_indices = @transform_5, window_bounds = array<i64: 1280, 128>}]} {
    %get3A = arith.constant 0 : index
    %get3A_0 = arith.constant 0 : index
    %get3A_1 = vector.load %arg1[%get3A, %get3A_0] : memref<1280x128xf32, #tpu.memory_space<vmem>>, vector<1280x128xf32>
    %get3A_2 = arith.constant 0 : index
    %get3A_3 = arith.constant 0 : index
    %get3A_4 = vector.load %arg2[%get3A_2, %get3A_3] : memref<128x128xf32, #tpu.memory_space<vmem>>, vector<128x128xf32>
    %dot_general3A = arith.constant dense<0.000000e+00> : vector<1280x128xf32>
    %dot_general3A_5 = tpu.matmul %get3A_1, %get3A_4, %dot_general3A {dimension_numbers = #tpu.dot_dimension_numbers<[1], [0], [0], [1], [0, 0, 1, 1], [], []>, transpose_lhs_hint = false} : vector<1280x128xf32>, vector<128x128xf32>, vector<1280x128xf32> -> vector<1280x128xf32>
    %get3A_6 = arith.constant 0 : index
    %get3A_7 = arith.constant 0 : index
    %get3A_8 = vector.load %arg3[%get3A_6, %get3A_7] : memref<1280x1xf32, #tpu.memory_space<vmem>>, vector<1280x1xf32>
    %get3A_9 = arith.constant 0 : index
    %get3A_10 = arith.constant 0 : index
    %get3A_11 = vector.load %arg4[%get3A_9, %get3A_10] : memref<1280x1xf32, #tpu.memory_space<vmem>>, vector<1280x1xf32>
    %add3A = arith.addf %get3A_8, %get3A_11 : vector<1280x1xf32>
    %add3A_12 = arith.constant 1.000000e+00 : f32
    %add3A_13 = vector.broadcast %add3A_12 : f32 to vector<1280x1xf32>
    %add3A_14 = arith.addf %add3A, %add3A_13 : vector<1280x1xf32>
    %rsqrt3A = math.rsqrt %add3A_14 : vector<1280x1xf32>
    %swap3A = arith.constant 0 : index
    %swap3A_15 = arith.constant 0 : index
    %swap3A_16 = vector.load %arg5[%swap3A, %swap3A_15] : memref<1280x128xf32, #tpu.memory_space<vmem>>, vector<1280x128xf32>
    tpu.vector_store %arg5[%swap3A, %swap3A_15], %dot_general3A_5 {strides = array<i32>} : memref<1280x128xf32, #tpu.memory_space<vmem>>, vector<1280x128xf32>,
    %mul3A = vector.broadcast %rsqrt3A : vector<1280x1xf32> to vector<1280x128xf32>
    %mul3A_17 = arith.mulf %dot_general3A_5, %mul3A : vector<1280x128xf32>
    %swap3A_18 = arith.constant 0 : index
    %swap3A_19 = arith.constant 0 : index
    %swap3A_20 = vector.load %arg6[%swap3A_18, %swap3A_19] : memref<1280x128xf32, #tpu.memory_space<vmem>>, vector<1280x128xf32>
    tpu.vector_store %arg6[%swap3A_18, %swap3A_19], %mul3A_17 {strides = array<i32>} : memref<1280x128xf32, #tpu.memory_space<vmem>>, vector<1280x128xf32>,
    return
  }
  func.func @transform_0(%arg0: i32) -> (i32, i32) {
    %c0_i32 = arith.constant 0 : i32
    %c0_i32_0 = arith.constant 0 : i32
    return %arg0, %c0_i32 : i32, i32
  }
  func.func @transform_1(%arg0: i32) -> (i32, i32) {
    %c0_i32 = arith.constant 0 : i32
    %c0_i32_0 = arith.constant 0 : i32
    %c0_i32_1 = arith.constant 0 : i32
    return %c0_i32, %c0_i32_0 : i32, i32
  }
  func.func @transform_2(%arg0: i32) -> (i32, i32) {
    %c0_i32 = arith.constant 0 : i32
    %c0_i32_0 = arith.constant 0 : i32
    return %arg0, %c0_i32 : i32, i32
  }
  func.func @transform_3(%arg0: i32) -> (i32, i32) {
    %c0_i32 = arith.constant 0 : i32
    %c0_i32_0 = arith.constant 0 : i32
    return %arg0, %c0_i32 : i32, i32
  }
  func.func @transform_4(%arg0: i32) -> (i32, i32) {
    %c0_i32 = arith.constant 0 : i32
    %c0_i32_0 = arith.constant 0 : i32
    return %arg0, %c0_i32 : i32, i32
  }
  func.func @transform_5(%arg0: i32) -> (i32, i32) {
    %c0_i32 = arith.constant 0 : i32
    %c0_i32_0 = arith.constant 0 : i32
    return %arg0, %c0_i32 : i32, i32
  }
}

module attributes {stable_mosaic.version = 14 : i64} {
  func.func @_out_body(%arg0: i32, %arg1: memref<2000x128xf32, #tpu.memory_space<vmem>>, %arg2: memref<2000x128xf32, #tpu.memory_space<vmem>>, %arg3: memref<2000x128xf32, #tpu.memory_space<vmem>>, %arg4: memref<2000x1xf32, #tpu.memory_space<vmem>>, %arg5: memref<2000x1xf32, #tpu.memory_space<vmem>>, %arg6: memref<1x128xf32, #tpu.memory_space<vmem>>, %arg7: memref<2000x128xf32, #tpu.memory_space<vmem>>) attributes {dimension_semantics = [#tpu.dimension_semantics<arbitrary>], iteration_bounds = array<i64: 5>, scalar_prefetch = 0 : i64, scratch_operands = 0 : i64, tpu.core_type = #tpu.core_type<tc>, window_params = [{transform_indices = @transform_0, window_bounds = array<i64: 2000, 128>}, {transform_indices = @transform_1, window_bounds = array<i64: 2000, 128>}, {transform_indices = @transform_2, window_bounds = array<i64: 2000, 128>}, {transform_indices = @transform_3, window_bounds = array<i64: 2000, 1>}, {transform_indices = @transform_4, window_bounds = array<i64: 2000, 1>}, {pipeline_mode = #tpu.pipeline_mode<synchronous>, transform_indices = @transform_5, window_bounds = array<i64: 1, 128>}, {transform_indices = @transform_6, window_bounds = array<i64: 2000, 128>}]} {
    %get3A = arith.constant 0 : index
    %get3A_0 = arith.constant 0 : index
    %get3A_1 = vector.load %arg4[%get3A, %get3A_0] : memref<2000x1xf32, #tpu.memory_space<vmem>>, vector<2000x1xf32>
    %get3A_2 = arith.constant 0 : index
    %get3A_3 = arith.constant 0 : index
    %get3A_4 = vector.load %arg5[%get3A_2, %get3A_3] : memref<2000x1xf32, #tpu.memory_space<vmem>>, vector<2000x1xf32>
    %add3A = arith.addf %get3A_1, %get3A_4 : vector<2000x1xf32>
    %add3A_5 = arith.constant 1.000000e+00 : f32
    %add3A_6 = vector.broadcast %add3A_5 : f32 to vector<2000x1xf32>
    %add3A_7 = arith.addf %add3A, %add3A_6 : vector<2000x1xf32>
    %rsqrt3A = math.rsqrt %add3A_7 : vector<2000x1xf32>
    %get3A_8 = arith.constant 0 : index
    %get3A_9 = arith.constant 0 : index
    %get3A_10 = vector.load %arg1[%get3A_8, %get3A_9] : memref<2000x128xf32, #tpu.memory_space<vmem>>, vector<2000x128xf32>
    %get3A_11 = arith.constant 0 : index
    %get3A_12 = arith.constant 0 : index
    %get3A_13 = vector.load %arg2[%get3A_11, %get3A_12] : memref<2000x128xf32, #tpu.memory_space<vmem>>, vector<2000x128xf32>
    %add3A_14 = arith.addf %get3A_10, %get3A_13 : vector<2000x128xf32>
    %mul3A = vector.broadcast %rsqrt3A : vector<2000x1xf32> to vector<2000x128xf32>
    %mul3A_15 = arith.mulf %mul3A, %add3A_14 : vector<2000x128xf32>
    %get3A_16 = arith.constant 0 : index
    %get3A_17 = arith.constant 0 : index
    %get3A_18 = vector.load %arg3[%get3A_16, %get3A_17] : memref<2000x128xf32, #tpu.memory_space<vmem>>, vector<2000x128xf32>
    %div3A = vector.broadcast %add3A_7 : vector<2000x1xf32> to vector<2000x128xf32>
    %div3A_19 = arith.divf %get3A_18, %div3A : vector<2000x128xf32>
    %add3A_20 = arith.addf %mul3A_15, %div3A_19 : vector<2000x128xf32>
    %get3A_21 = arith.constant 0 : index
    %get3A_22 = arith.constant 0 : index
    %get3A_23 = vector.load %arg6[%get3A_21, %get3A_22] : memref<1x128xf32, #tpu.memory_space<vmem>>, vector<1x128xf32>
    %add3A_24 = vector.broadcast %get3A_23 : vector<1x128xf32> to vector<2000x128xf32>
    %add3A_25 = arith.addf %add3A_20, %add3A_24 : vector<2000x128xf32>
    %swap3A = arith.constant 0 : index
    %swap3A_26 = arith.constant 0 : index
    %swap3A_27 = vector.load %arg7[%swap3A, %swap3A_26] : memref<2000x128xf32, #tpu.memory_space<vmem>>, vector<2000x128xf32>
    tpu.vector_store %arg7[%swap3A, %swap3A_26], %add3A_25 {strides = array<i32>} : memref<2000x128xf32, #tpu.memory_space<vmem>>, vector<2000x128xf32>,
    return
  }
  func.func @transform_0(%arg0: i32) -> (i32, i32) {
    %c0_i32 = arith.constant 0 : i32
    %c0_i32_0 = arith.constant 0 : i32
    return %arg0, %c0_i32 : i32, i32
  }
  func.func @transform_1(%arg0: i32) -> (i32, i32) {
    %c0_i32 = arith.constant 0 : i32
    %c0_i32_0 = arith.constant 0 : i32
    return %arg0, %c0_i32 : i32, i32
  }
  func.func @transform_2(%arg0: i32) -> (i32, i32) {
    %c0_i32 = arith.constant 0 : i32
    %c0_i32_0 = arith.constant 0 : i32
    return %arg0, %c0_i32 : i32, i32
  }
  func.func @transform_3(%arg0: i32) -> (i32, i32) {
    %c0_i32 = arith.constant 0 : i32
    %c0_i32_0 = arith.constant 0 : i32
    return %arg0, %c0_i32 : i32, i32
  }
  func.func @transform_4(%arg0: i32) -> (i32, i32) {
    %c0_i32 = arith.constant 0 : i32
    %c0_i32_0 = arith.constant 0 : i32
    return %arg0, %c0_i32 : i32, i32
  }
  func.func @transform_5(%arg0: i32) -> (i32, i32) {
    %c0_i32 = arith.constant 0 : i32
    %c0_i32_0 = arith.constant 0 : i32
    %c0_i32_1 = arith.constant 0 : i32
    return %c0_i32, %c0_i32_0 : i32, i32
  }
  func.func @transform_6(%arg0: i32) -> (i32, i32) {
    %c0_i32 = arith.constant 0 : i32
    %c0_i32_0 = arith.constant 0 : i32
    return %arg0, %c0_i32 : i32, i32
  }
}

</mosaic_0001>

<sc_bundles>
// kernel: kernel.6.cloned.1.call-start
scs
__scs_entry_jumppad:
0x0: {  	(pc) =	sbr.rel $0x88, $3  }
0x1: {  	(tag) =	ssettag $0x0;
	lr =	simm.s32 $0x1  }
0x2: {  	[smem:$0x3F9D] =	sst lr;
	_ =	strace $0xD0000000  }
0x3: {  	_ = 	snop  }
0x4: {  	_ = 	snop  }
0x5: {  	_ = 	snop  }
0x6: {  	_ = 	snop  }
0x7: {  	_ = 	snop  }
__scs_overlays_trampoline_lowered:
0x8: {  	[smem:$0x3FAC] =	sst s0  }
0x9: {  	[smem:$0x3FAD] =	sst s1  }
0xa: {  	[smem:$0x3FAE] =	sst s2  }
0xb: {  	[smem:$0x3FAF] =	sst s3  }
0xc: {  	[smem:$0x3FB0] =	sst s4  }
0xd: {  	[smem:$0x3FB1] =	sst s5  }
0xe: {  	[smem:$0x3FB2] =	sst s6  }
0xf: {  	[smem:$0x3FB3] =	sst s7  }
0x10: {  	[smem:$0x3FB4] =	sst s8  }
0x11: {  	[smem:$0x3FB5] =	sst s9;
	s0 =	simm.s32 @!p0 $0x0  }
0x12: {  	s1 =	sld [smem:$0x3F9B];
	s0 =	simm.s32 @p0 $0x1  }
0x13: {  	[smem:$0x3FB6] =	sst s0;
	s0 =	simm.s32 @!p1 $0x0  }
0x14: {  	s2 =	sld [smem:$0x3F9A];
	s0 =	simm.s32 @p1 $0x1  }
0x15: {  	[smem:$0x3FB7] =	sst s0;
	s0 =	simm.s32 @!p2 $0x0  }
0x16: {  	s3 =	sld [smem:$0x3FDB];
	s0 =	simm.s32 @p2 $0x1  }
0x17: {  	s4 =	simm.s32 $0x1BF5;
	[smem:$0x3FB9] =	sst s0  }
0x18: {  	s0 =	sld [smem:$0x3F9C];
	_ =	swait.ge [sflag:s4], $0x0  }
0x19: {  	s7 =	sld [smem:$0x3F9D]  }
0x1a: {  	s8 =	sadd.s32 $0xFFFFE003, lr  }
0x1b: {  	s9 =	sadd.s32 $0xFFFFFEF7, lr;
	s5 =	simm.s32 $0xFFFFFFFF;
	p2 =	slt.u32 s8, $0xFFFFF086  }
0x1c: {  	p1 =	slt.u32 s9, $0xF7A;
	s5 =	simm.s32 @!p2 $0x0  }
0x1d: {  	s5 =	simm.s32 @p1 $0x1;
	p0 =	seq.s32 s7, s2  }
0x1e: {  	s7 =	smul.u32 @!p0 $0xF7A, s2;
	p2 =	seq.s32 @!p0 s5, $0x0  }
0x1f: {  	s9 =	smul.u32 $0xF7A, s1;
	s8 =	simm.s32 @!p0 $0x1BF5;
	p2 =	por !p2, p0  }
0x20: {  	[sflag:s8] =	ssyncset.s32 @!p0 $0xFFFFF086;
	s6 =	sadd.s32 @!p0 s3, s7;
	s7 =	simm.s32 @!p0 $0x108  }
0x21: {  	s3 =	sadd.s32 s3, s9;
	s6 =	sadd.s32 @!p0 $0x88, s6;
	s7 =	simm.s32 @p2 $0x1082  }
0x22: {  	[simem:s7], [sflag:s8] =	dma.local @!p0 [hbm:s6], $0xF7A  }
0x23: {  	s9 =	sor.u32 $0xD0000000, s2;
	s6 =	simm.s32 $0x108;
	_ =	swait.ge @!p0 [sflag:s8], $0x0  }
0x24: {  	s3 =	sadd.s32 $0x88, s3;
	s6 =	simm.s32 @!p1 $0x1082;
	[sflag:s4] =	ssyncset.s32 $0xFFFFF086  }
0x25: {  	[simem:s6], [sflag:s4] =	dma.local [hbm:s3], $0xF7A  }
0x26: {  	[smem:$0x3F9D] =	sst s1;
	(tag) =	ssettag s2;
	_ =	strace s9  }
0x27: {  	s1 =	sld [smem:$0x3FAD]  }
0x28: {  	s2 =	sld [smem:$0x3FAE]  }
0x29: {  	s4 =	sld [smem:$0x3FB0]  }
0x2a: {  	p0 =	seq.s32 s5, $0x0;
	s5 =	sld [smem:$0x3FB1]  }
0x2b: {  	s6 =	sld [smem:$0x3FB2]  }
0x2c: {  	s7 =	sld [smem:$0x3FB3]  }
0x2d: {  	s3 =	simm.s32 $0x108;
	s8 =	sld [smem:$0x3FB4]  }
0x2e: {  	s3 =	simm.s32 @!p0 $0x1082;
	s9 =	sld [smem:$0x3FB5]  }
0x2f: {  	lr =	sadd.s32 s0, s3;
	s0 =	sld [smem:$0x3FAC]  }
0x30: {  	s3 =	sld [smem:$0x3FAF]  }
0x31: {  	[smem:$0x3FB8] =	sst s10  }
0x32: {  	s10 =	sld [smem:$0x3FB6];
	_ =	sdelay $0x3  }
0x33: {  	p0 =	seq.s32 s10, $0x1;
	s10 =	sld [smem:$0x3FB8];
	_ =	sdelay $0x3  }
0x34: {  	[smem:$0x3FB8] =	sst s10  }
0x35: {  	s10 =	sld [smem:$0x3FB7];
	_ =	sdelay $0x3  }
0x36: {  	p1 =	seq.s32 s10, $0x1;
	s10 =	sld [smem:$0x3FB8];
	_ =	sdelay $0x3  }
0x37: {  	[smem:$0x3FB8] =	sst s10  }
0x38: {  	s10 =	sld [smem:$0x3FB9]  }
0x39: {  	_ = 	snop;
	(pc) =	sbr.ind lr, $3  }
0x3a: {  	_ = 	snop  }
0x3b: {  	_ = 	snop  }
0x3c: {  	p2 =	seq.s32 s10, $0x1;
	s10 =	sld [smem:$0x3FB8]  }
0x3d: {  	_ =	shalt  }
0x3e: {  	_ =	shalt  }
0x3f: {  	_ =	shalt  }
0x40: {  	_ =	shalt  }
0x41: {  	_ =	shalt  }
0x42: {  	_ =	shalt  }
0x43: {  	_ =	shalt  }
0x44: {  	_ =	shalt  }
0x45: {  	_ =	shalt  }
0x46: {  	_ =	shalt  }
0x47: {  	_ =	shalt  }
0x48: {  	_ =	shalt  }
0x49: {  	_ =	shalt  }
0x4a: {  	_ =	shalt  }
0x4b: {  	_ =	shalt  }
0x4c: {  	_ =	shalt  }
0x4d: {  	_ =	shalt  }
0x4e: {  	_ =	shalt  }
0x4f: {  	_ =	shalt  }
0x50: {  	_ =	shalt  }
0x51: {  	_ =	shalt  }
0x52: {  	_ =	shalt  }
0x53: {  	_ =	shalt  }
0x54: {  	_ =	shalt  }
0x55: {  	_ =	shalt  }
0x56: {  	_ =	shalt  }
0x57: {  	_ =	shalt  }
0x58: {  	_ =	shalt  }
0x59: {  	_ =	shalt  }
0x5a: {  	_ =	shalt  }
0x5b: {  	_ =	shalt  }
0x5c: {  	_ =	shalt  }
0x5d: {  	_ =	shalt  }
0x5e: {  	_ =	shalt  }
0x5f: {  	_ =	shalt  }
0x60: {  	_ =	shalt  }
0x61: {  	_ =	shalt  }
0x62: {  	_ =	shalt  }
0x63: {  	_ =	shalt  }
0x64: {  	_ =	shalt  }
0x65: {  	_ =	shalt  }
0x66: {  	_ =	shalt  }
0x67: {  	_ =	shalt  }
0x68: {  	_ =	shalt  }
0x69: {  	_ =	shalt  }
0x6a: {  	_ =	shalt  }
0x6b: {  	_ =	shalt  }
0x6c: {  	_ =	shalt  }
0x6d: {  	_ =	shalt  }
0x6e: {  	_ =	shalt  }
0x6f: {  	_ =	shalt  }
0x70: {  	_ =	shalt  }
0x71: {  	_ =	shalt  }
0x72: {  	_ =	shalt  }
0x73: {  	_ =	shalt  }
0x74: {  	_ =	shalt  }
0x75: {  	_ =	shalt  }
0x76: {  	_ =	shalt  }
0x77: {  	_ =	shalt  }
0x78: {  	_ =	shalt  }
0x79: {  	_ =	shalt  }
0x7a: {  	_ =	shalt  }
0x7b: {  	_ =	shalt  }
0x7c: {  	_ =	shalt  }
0x7d: {  	_ =	shalt  }
0x7e: {  	_ =	shalt  }
0x7f: {  	_ =	shalt  }
0x80: {  	_ =	shalt  }
0x81: {  	_ =	shalt  }
0x82: {  	_ =	shalt  }
0x83: {  	_ =	shalt  }
0x84: {  	_ =	shalt  }
0x85: {  	_ =	shalt  }
0x86: {  	_ =	shalt  }
0x87: {  	_ =	shalt  }
.Lfunc_end0:
.L_simem_size_0:
called_computation_lowered:
.L_overlay_start_0:
0x88: {  	s2 =	sld [smem:$0x3FD9]  }
0x89: {  	s3 =	sld [smem:$0x3FFE];
	_ =	sdelay $0x1  }
0x8a: {  	s1 =	srdreg.scid  }
0x8b: {  	s0 =	sand.u32 $0x1, s1  }
0x8c: {  	s17 =	sshll.u32 s0, $0xA;
	s2 =	sadd.s32 s3, s2  }
0x8d: {  	s2 =	sadd.s32 s2, s17  }
0x8e: {  	[smem:$0x3FC4] =	sst s2  }
0x8f: {  	_ = 	snop  }
0x90: {  	s2 =	sld [smem:$0x3FD0];
	(tm) =	ssettm $0x1  }
0x91: {  	s18 =	sld [smem:$0x3FFB];
	_ =	sdelay $0x3  }
0x92: {  	_ =	strace s18  }
0x93: {  	s3 =	sld [smem:$0x3FFC];
	_ =	sdelay $0x3  }
0x94: {  	_ =	strace s3  }
0x95: {  	s3 =	sld [smem:$0x3FFD];
	_ =	sdelay $0x3  }
0x96: {  	_ =	strace s3  }
0x97: {  	_ =	strace $0x8FFFFFFF  }
0x98: {  	s19 =	sld [smem:$0x3FDB];
	_ =	sdelay $0x1  }
0x99: {  	s4 =	simm.s32 $_scs_section_size  }
0x9a: {  	s5 =	simm.s32 $_size__tile_overlayer_lowered;
	s6 =	simm.s32 $_tile_overlayer_lowered  }
0x9b: {  	s22 =	simm.s32 $0x1BFF;
	s21 =	sshll.u32 s6, $0x1;
	s3 =	sadd.s32 s4, s19  }
0x9c: {  	s7 =	simm.s32 $0x0;
	s20 =	sshll.u32 s5, $0x1;
	s5 =	sadd.s32 s21, s3  }
0x9d: {  	[timem:s7], [sflag:s22] =	dma.local [hbm:s5], s20  }
0x9e: {  	_ =	swait.ge [sflag:s22], s20  }
0x9f: {  	s4 =	ssub.s32 $0x0, s20;
	[sflag:s22] =	ssyncset.done $0x0  }
0xa0: {  	[sflag:s22] =	ssyncadd.s32 s4;
	_ =	sdelay $0x1  }
0xa1: {  	s23 =	simm.s32 $0x1B8B  }
0xa2: {  	_ =	swait.ge [sflag:s23], $0x1  }
0xa3: {  	[sflag:s23] =	ssyncset.done $0x0  }
0xa4: {  	s25 =	simm.s32 $0x1B8E;
	s24 =	sld [smem:$0x3FFE];
	[sflag:s23] =	ssyncadd.s32 $0xFFFFFFFF  }
0xa5: {  	s26 =	simm.s32 $execute0_lowered;
	[smem:$0x3FD2] =	sst s25  }
0xa6: {  	s5 =	sshll.u32 s26, $0x1;
	_ =	strace $0x80000046;
	[dreg:$0x1] =	wrdreg $0xFFFFFFFF  }
0xa7: {  	s28 =	simm.s32 $_size_execute0_lowered;
	s3 =	sadd.s32 s3, s5;
	[dreg:$0x0] =	wrdreg $0x0  }
0xa8: {  	s5 =	sshll.u32 s28, $0x1;
	[dreg:$0x2] =	wrdreg s3  }
0xa9: {  	[dreg:$0x3] =	wrdreg s5  }
0xaa: {  	[dreg:$0x4] =	wrdreg $0xC0  }
0xab: {  	_ =	task [dreg:s7], $0x5FFFF  }
0xac: {  	[dreg:$0x1] =	wrdreg $0xFFFFFFFF  }
0xad: {  	[dreg:$0x0] =	wrdreg $0x60  }
0xae: {  	[dreg:$0x2] =	wrdreg s2  }
0xaf: {  	[dreg:$0x3] =	wrdreg s24  }
0xb0: {  	[dreg:$0x4] =	wrdreg $0xAC000  }
0xb1: {  	[dreg:$0x5] =	wrdreg $0x9  }
0xb2: {  	_ =	task.clear_ibuf [dreg:s7], $0x6FFFF;
	_ =	strace $0x90000046  }
0xb3: {  	s29 =	simm.s32 $0x9;
	_ =	strace $0x80000048  }
0xb4: {  	_ =	swait.ge [sflag:s29], $0x1  }
0xb5: {  	[sflag:s29] =	ssyncadd.s32 $0xFFFFFFFF  }
0xb6: {  	_ =	strace $0x90000048  }
0xb7: {  	_ =	sfence  }
0xb8: {  	s30 =	sld [smem:$0x0];
	_ =	sdelay $0x2  }
0xb9: {  	s31 =	sshll.u32 s1, $0xD;
	s1 =	sshrl.u32 s1, $0x2  }
0xba: {  	s3 =	sand.u32 $0x4000, s31;
	s1 =	sadd.s32 s1, s30  }
0xbb: {  	s0 =	sor.u32 s3, s0;
	s1 =	sshll.u32 s1, $0x11  }
0xbc: {  	s0 =	sor.u32 s1, s0  }
0xbd: {  	s0 =	sadd.s32 $0x8F2B, s0  }
0xbe: {  	[sflag:s0] =	ssyncadd.remote.s32 $0x1  }
0xbf: {  	_ =	sfence.sel $0xFFFF  }
0xc0: {  	[dreg:$0x0] =	wrdreg $0xFFFFFFFF;
	(pc) =	sbr.abs _section_cstart, $3  }
0xc1: {  	[dreg:$0x1] =	wrdreg $0xFFFFFFFF  }
0xc2: {  	_ =	task.clear_ibuf [dreg:s7], $0x2FFFF;
	_ =	strace $0x9FFFFFFF  }
0xc3: {  	(tm) =	ssettm $0x7FFFFFFF  }
tec
execute0_lowered:
.L_overlay_start_1:
0x0: {  	(tag) =	ssettag $0x1  }
0x1: {  	s7 =	rddreg [dreg:$0x0]  }
0x2: {  	s6 =	rddreg [dreg:$0x1]  }
0x3: {  	s1 =	rddreg [dreg:$0x2]  }
0x4: {  	s2 =	srdreg.scid;
	s0 =	rddreg [dreg:$0x3];
	s3 =	simm.s32 $0x0  }
0x5: {  	s15 =	simm.s32 $0x3;
	s16 =	simm.s32 $0x6C00;
	s17 =	simm.s32 $0x2800  }
0x6: {  	s18 =	simm.s32 $0x80;
	s19 =	simm.s32 $0x2880;
	s20 =	simm.s32 $0x2900  }
0x7: {  	s21 =	simm.s32 $0x2980;
	s22 =	simm.s32 $0x2A00;
	s8 =	sand.u32 $0x1, s2  }
0x8: {  	s23 =	simm.s32 $0x1;
	s2 =	stileid.u32;
	s5 =	smul.u32 $0x140000, s8  }
0x9: {  	s24 =	simm.s32 $0x2;
	s25 =	simm.s32 $0x0;
	s9 =	smul.u32 $0x14000, s2  }
0xa: {  	[smem:$0x7FF] =	sst s3;
	s4 =	sshll.u32 s2, $0x7;
	s11 =	smul.u32 $0x5000, s8  }
0xb: {  	_ =	strace $0x80000047;
	s12 =	smul.u32 $0x500, s2;
	s8 =	ssub.s32 $0x2, s8  }
0xc: {  	s10 =	sadd.s32 s4, s6;
	s4 =	sadd.s32 $0xD400, s6;
	s9 =	sadd.s32 s9, s5  }
0xd: {  	s30 =	sshrl.u32 s8, $0x1;
	s5 =	sadd.s32 $0xCC00, s6;
	s9 =	sshrl.u32 s9, $0x3  }
0xe: {  	s31 =	sadd.s32 s12, s11;
	s14 =	ssub.s32 s8, s30;
	s13 =	sadd.s32 s9, s6  }
0xf: {  	s7 =	sadd.s32 s7, s31;
	s6 =	sadd.s32 $0x2400, s10;
	s8 =	sadd.s32 $0xDC00, s13  }
0x10: {  	s9 =	sadd.s32 $0xE400, s13;
	s10 =	sadd.s32 $0xEC00, s13;
	s11 =	sadd.s32 $0xF400, s13  }
0x11: {  	s12 =	sadd.s32 $0xFC00, s13;
	s13 =	smax.u32 s14, $0x1;
	s14 =	simm.s32 $0x2C00  }
.LBB2_1:
0x12: {  	[tilespmem:s14], [sflag:$0x3] =	stream.linear.gather [hbm4b:s4+s3], $0x4000, $0x38;
	[tilespmem:$0x1EC00] =	vst v63  }
0x13: {  	_ =	swait.ge [sflag:s15], $0x4000  }
0x14: {  	[sflag:s15] =	ssyncset.done $0x0  }
0x15: {  	[sflag:s15] =	ssyncadd.s32 $0xFFFFC000  }
0x16: {  	[tilespmem:s16], [sflag:$0x3] =	stream.linear.gather [hbm4b:s5+s3], $0x4000, $0x38;
	[tilespmem:$0x1EC00] =	vst v63  }
0x17: {  	_ =	swait.ge [sflag:s15], $0x4000  }
0x18: {  	[sflag:s15] =	ssyncset.done $0x0  }
0x19: {  	[sflag:s15] =	ssyncadd.s32 $0xFFFFC000  }
0x1a: {  	[tilespmem:s17], [sflag:$0x3] =	stream.linear.gather [hbm4b:s6+s3], $0x400, $0x38;
	[tilespmem:$0x1EC00] =	vst v63  }
0x1b: {  	_ =	swait.ge [sflag:s15], $0x400  }
0x1c: {  	[sflag:s15] =	ssyncset.done $0x0  }
0x1d: {  	[sflag:s15] =	ssyncadd.s32 $0xFFFFFC00  }
0x1e: {  	[spmem:s1] =	stream.indirect.scatter [tilespmem:s16], [sflag:$0x3], $0x80, s17, s18, $0xb8;
	[tilespmem:$0x1EC00] =	vst v63  }
0x1f: {  	_ =	swait.ge [sflag:s15], $0x4000  }
0x20: {  	[sflag:s15] =	ssyncset.done $0x0  }
0x21: {  	[sflag:s15] =	ssyncadd.s32 $0xFFFFC000  }
0x22: {  	[spmem:s1] =	stream.indirect.scatter [tilespmem:s16], [sflag:$0x3], $0x80, s19, s18, $0xb8;
	[tilespmem:$0x1EC00] =	vst v63  }
0x23: {  	_ =	swait.ge [sflag:s15], $0x4000  }
0x24: {  	[sflag:s15] =	ssyncset.done $0x0  }
0x25: {  	[sflag:s15] =	ssyncadd.s32 $0xFFFFC000  }
0x26: {  	[spmem:s1] =	stream.indirect.scatter [tilespmem:s16], [sflag:$0x3], $0x80, s20, s18, $0xb8;
	[tilespmem:$0x1EC00] =	vst v63  }
0x27: {  	_ =	swait.ge [sflag:s15], $0x4000  }
0x28: {  	[sflag:s15] =	ssyncset.done $0x0  }
0x29: {  	[sflag:s15] =	ssyncadd.s32 $0xFFFFC000  }
0x2a: {  	[spmem:s1] =	stream.indirect.scatter [tilespmem:s16], [sflag:$0x3], $0x80, s21, s18, $0xb8;
	[tilespmem:$0x1EC00] =	vst v63  }
0x2b: {  	_ =	swait.ge [sflag:s15], $0x4000  }
0x2c: {  	[sflag:s15] =	ssyncset.done $0x0  }
0x2d: {  	[sflag:s15] =	ssyncadd.s32 $0xFFFFC000  }
0x2e: {  	[spmem:s1] =	stream.indirect.scatter [tilespmem:s16], [sflag:$0x3], $0x80, s22, s18, $0xb8;
	[tilespmem:$0x1EC00] =	vst v63  }
0x2f: {  	_ =	swait.ge [sflag:s15], $0x4000  }
0x30: {  	[sflag:s15] =	ssyncset.done $0x0  }
0x31: {  	[sflag:s15] =	ssyncadd.s32 $0xFFFFC000  }
0x32: {  	[bflag:$0x0] =	sbarrier.arrive $0xFFFF  }
0x33: {  	[tilespmem:s3], [sflag:$0x3] =	stream.linear.gather [hbm4b:s7+s3], $0x2800, $0x38;
	[tilespmem:$0x1EC00] =	vst v63  }
0x34: {  	_ =	swait.ge [sflag:s15], $0x2800  }
0x35: {  	[sflag:s15] =	ssyncset.done $0x0  }
0x36: {  	[sflag:s15] =	ssyncadd.s32 $0xFFFFD800  }
0x37: {  	[spmem:s1] =	stream.indirect.scatter.add.f32 [tilespmem:s14], [sflag:$0x1], $0x80, s3, s18, $0xb8;
	[tilespmem:$0x1EC00] =	vst v63  }
0x38: {  	_ = 	snop  }
0x39: {  	[spmem:s1] =	stream.indirect.scatter.add.f32 [tilespmem:s14], [sflag:$0x2], $0x80, s18, s18, $0xb8;
	[tilespmem:$0x1EC00] =	vst v63  }
0x3a: {  	_ =	swait.ge [sflag:s23], $0x4000  }
0x3b: {  	[sflag:s23] =	ssyncset.done $0x0  }
0x3c: {  	s26 =	simm.s32 $0x100;
	[sflag:s23] =	ssyncadd.s32 $0xFFFFC000  }
0x3d: {  	[spmem:s1] =	stream.indirect.scatter.add.f32 [tilespmem:s14], [sflag:$0x1], $0x80, s26, s18, $0xb8;
	[tilespmem:$0x1EC00] =	vst v63  }
0x3e: {  	_ =	swait.ge [sflag:s24], $0x4000  }
0x3f: {  	[sflag:s24] =	ssyncset.done $0x0  }
0x40: {  	s28 =	simm.s32 $0x180;
	s26 =	simm.s32 $0xFFFF6800;
	[sflag:s24] =	ssyncadd.s32 $0xFFFFC000  }
.LBB2_2:
0x41: {  	[spmem:s1] =	stream.indirect.scatter.add.f32 [tilespmem:s14], [sflag:$0x2], $0x80, s28, s18, $0xb8;
	[tilespmem:$0x1EC00] =	vst v63  }
0x42: {  	s28 =	smov.u32 s26  }
0x43: {  	p0 =	sne.s32 s26, $0xFFFFFC00;
	s26 =	sadd.s32 $0x400, s26;
	_ =	swait.ge [sflag:s23], $0x4000  }
0x44: {  	s28 =	sshra.s32 s28, $0x2;
	[sflag:s23] =	ssyncset.done $0x0  }
.Ltmp0:
0x45: {  	s29 =	sadd.s32 $0x2800, s28;
	[sflag:s23] =	ssyncadd.s32 $0xFFFFC000;
	(pc) =	sbr.rel @p0 .LBB2_2-.Ltmp0, $4  }
0x46: {  	[spmem:s1] =	stream.indirect.scatter.add.f32 [tilespmem:s14], [sflag:$0x1], $0x80, s29, s18, $0xb8;
	[tilespmem:$0x1EC00] =	vst v63  }
0x47: {  	_ =	swait.ge [sflag:s24], $0x4000  }
0x48: {  	[sflag:s24] =	ssyncset.done $0x0  }
0x49: {  	s28 =	sadd.s32 $0x2880, s28;
	[sflag:s24] =	ssyncadd.s32 $0xFFFFC000  }
0x4a: {  	[spmem:s1] =	stream.indirect.scatter.add.f32 [tilespmem:s14], [sflag:$0x2], $0x80, s28, s18, $0xb8;
	[tilespmem:$0x1EC00] =	vst v63  }
0x4b: {  	_ =	swait.ge [sflag:s23], $0x4000  }
0x4c: {  	[sflag:s23] =	ssyncset.done $0x0  }
0x4d: {  	[sflag:s23] =	ssyncadd.s32 $0xFFFFC000  }
0x4e: {  	_ =	swait.ge [sflag:s24], $0x4000  }
0x4f: {  	[sflag:s24] =	ssyncset.done $0x0  }
0x50: {  	[sflag:s24] =	ssyncadd.s32 $0xFFFFC000  }
0x51: {  	[bflag:$0x0] =	sbarrier.arrive $0xFFFF  }
0x52: {  	[tilespmem:s16], [sflag:$0x3] =	stream.indirect.gather [spmem:s1], $0x80, s17, s18, $0xb8;
	[tilespmem:$0x1EC00] =	vst v63  }
0x53: {  	_ =	swait.ge [sflag:s15], $0x4000  }
0x54: {  	[sflag:s15] =	ssyncset.done $0x0  }
0x55: {  	[sflag:s15] =	ssyncadd.s32 $0xFFFFC000  }
0x56: {  	[hbm4b:s8+s3] =	stream.linear.scatter [tilespmem:s16], [sflag:$0x3], $0x4000, $0x38;
	[tilespmem:$0x1EC00] =	vst v63  }
0x57: {  	_ =	swait.ge [sflag:s15], $0x4000  }
0x58: {  	[sflag:s15] =	ssyncset.done $0x0  }
0x59: {  	[sflag:s15] =	ssyncadd.s32 $0xFFFFC000  }
0x5a: {  	[tilespmem:s16], [sflag:$0x3] =	stream.indirect.gather [spmem:s1], $0x80, s19, s18, $0xb8;
	[tilespmem:$0x1EC00] =	vst v63  }
0x5b: {  	_ =	swait.ge [sflag:s15], $0x4000  }
0x5c: {  	[sflag:s15] =	ssyncset.done $0x0  }
0x5d: {  	[sflag:s15] =	ssyncadd.s32 $0xFFFFC000  }
0x5e: {  	[hbm4b:s9+s3] =	stream.linear.scatter [tilespmem:s16], [sflag:$0x3], $0x4000, $0x38;
	[tilespmem:$0x1EC00] =	vst v63  }
0x5f: {  	_ =	swait.ge [sflag:s15], $0x4000  }
0x60: {  	[sflag:s15] =	ssyncset.done $0x0  }
0x61: {  	[sflag:s15] =	ssyncadd.s32 $0xFFFFC000  }
0x62: {  	[tilespmem:s16], [sflag:$0x3] =	stream.indirect.gather [spmem:s1], $0x80, s20, s18, $0xb8;
	[tilespmem:$0x1EC00] =	vst v63  }
0x63: {  	_ =	swait.ge [sflag:s15], $0x4000  }
0x64: {  	[sflag:s15] =	ssyncset.done $0x0  }
0x65: {  	[sflag:s15] =	ssyncadd.s32 $0xFFFFC000  }
0x66: {  	[hbm4b:s10+s3] =	stream.linear.scatter [tilespmem:s16], [sflag:$0x3], $0x4000, $0x38;
	[tilespmem:$0x1EC00] =	vst v63  }
0x67: {  	_ =	swait.ge [sflag:s15], $0x4000  }
0x68: {  	[sflag:s15] =	ssyncset.done $0x0  }
0x69: {  	[sflag:s15] =	ssyncadd.s32 $0xFFFFC000  }
0x6a: {  	[tilespmem:s16], [sflag:$0x3] =	stream.indirect.gather [spmem:s1], $0x80, s21, s18, $0xb8;
	[tilespmem:$0x1EC00] =	vst v63  }
0x6b: {  	_ =	swait.ge [sflag:s15], $0x4000  }
0x6c: {  	[sflag:s15] =	ssyncset.done $0x0  }
0x6d: {  	[sflag:s15] =	ssyncadd.s32 $0xFFFFC000  }
0x6e: {  	[hbm4b:s11+s3] =	stream.linear.scatter [tilespmem:s16], [sflag:$0x3], $0x4000, $0x38;
	[tilespmem:$0x1EC00] =	vst v63  }
0x6f: {  	_ =	swait.ge [sflag:s15], $0x4000  }
0x70: {  	[sflag:s15] =	ssyncset.done $0x0  }
0x71: {  	[sflag:s15] =	ssyncadd.s32 $0xFFFFC000  }
0x72: {  	[tilespmem:s16], [sflag:$0x3] =	stream.indirect.gather [spmem:s1], $0x80, s22, s18, $0xb8;
	[tilespmem:$0x1EC00] =	vst v63  }
0x73: {  	s25 =	sadd.s32 $0x1, s25;
	_ =	swait.ge [sflag:s15], $0x4000  }
0x74: {  	p0 =	sne.s32 s25, s13;
	[sflag:s15] =	ssyncset.done $0x0  }
.Ltmp1:
0x75: {  	[sflag:s15] =	ssyncadd.s32 $0xFFFFC000;
	(pc) =	sbr.rel @p0 .LBB2_1-.Ltmp1, $4  }
0x76: {  	[hbm4b:s12+s3] =	stream.linear.scatter [tilespmem:s16], [sflag:$0x3], $0x4000, $0x38;
	[tilespmem:$0x1EC00] =	vst v63  }
0x77: {  	_ =	swait.ge [sflag:s15], $0x4000  }
0x78: {  	[sflag:s15] =	ssyncset.done $0x0  }
0x79: {  	[sflag:s15] =	ssyncadd.s32 $0xFFFFC000  }
0x7a: {  	_ =	sfence.sel $0x180000  }
0x7b: {  	[bflag:$0x0] =	sbarrier.arrive $0xFFFF  }
0x7c: {  	p0 =	sne.s32 s2, $0x0;
	_ =	strace $0x90000047  }
0x7d: {  	s0 =	sadd.s32 @!p0 $0x100000, s0;
	[bflag:$0x2] =	sbarrier.arrive $0xFFFF  }
0x7e: {  	[sflag:s0] =	ssyncadd.tile.s32 @!p0 $0x1;
	_ =	shalt  }
.Lfunc_end2:
_tile_overlayer_lowered:
.L_overlay_start_2:
0x7f: {  	(tag) =	ssettag $0x2  }
0x80: {  	s0 =	rddreg [dreg:$0x0];
	s2 =	stileid.u32  }
0x81: {  	s1 =	rddreg [dreg:$0x1];
	p0 =	sne.s32 s2, $0x0  }
0x82: {  	s3 =	rddreg [dreg:$0x2];
	[bflag:$0x3] =	sbarrier.arrive $0xFFFF;
	s2 =	simm.s32 @!p0 $0x1C03  }
0x83: {  	[timem:s3], [sflag:s2] =	dma.local @!p0 [hbm:s0], s1  }
0x84: {  	s0 =	simm.s32 @!p0 $0x3  }
0x85: {  	_ =	swait.ge @!p0 [sflag:s0], s1  }
0x86: {  	s1 =	ssub.s32 @!p0 $0x0, s1;
	[sflag:s0] =	ssyncset.done @!p0 $0x0  }
0x87: {  	[sflag:s0] =	ssyncadd.s32 @!p0 s1  }
0x88: {  	[bflag:$0x3] =	sbarrier.arrive $0xFFFF  }
0x89: {  	_ =	shalt  }

// kernel: kernel.9.cloned.1.call-start
scs
__scs_entry_jumppad:
0x0: {  	(pc) =	sbr.rel $0x88, $3  }
0x1: {  	(tag) =	ssettag $0x0;
	lr =	simm.s32 $0x1  }
0x2: {  	[smem:$0x3F9D] =	sst lr;
	_ =	strace $0xD0000000  }
0x3: {  	_ = 	snop  }
0x4: {  	_ = 	snop  }
0x5: {  	_ = 	snop  }
0x6: {  	_ = 	snop  }
0x7: {  	_ = 	snop  }
__scs_overlays_trampoline_lowered:
0x8: {  	[smem:$0x3FAC] =	sst s0  }
0x9: {  	[smem:$0x3FAD] =	sst s1  }
0xa: {  	[smem:$0x3FAE] =	sst s2  }
0xb: {  	[smem:$0x3FAF] =	sst s3  }
0xc: {  	[smem:$0x3FB0] =	sst s4  }
0xd: {  	[smem:$0x3FB1] =	sst s5  }
0xe: {  	[smem:$0x3FB2] =	sst s6  }
0xf: {  	[smem:$0x3FB3] =	sst s7  }
0x10: {  	[smem:$0x3FB4] =	sst s8  }
0x11: {  	[smem:$0x3FB5] =	sst s9;
	s0 =	simm.s32 @!p0 $0x0  }
0x12: {  	s1 =	sld [smem:$0x3F9B];
	s0 =	simm.s32 @p0 $0x1  }
0x13: {  	[smem:$0x3FB6] =	sst s0;
	s0 =	simm.s32 @!p1 $0x0  }
0x14: {  	s2 =	sld [smem:$0x3F9A];
	s0 =	simm.s32 @p1 $0x1  }
0x15: {  	[smem:$0x3FB7] =	sst s0;
	s0 =	simm.s32 @!p2 $0x0  }
0x16: {  	s3 =	sld [smem:$0x3FDB];
	s0 =	simm.s32 @p2 $0x1  }
0x17: {  	s4 =	simm.s32 $0x1BF5;
	[smem:$0x3FB9] =	sst s0  }
0x18: {  	s0 =	sld [smem:$0x3F9C];
	_ =	swait.ge [sflag:s4], $0x0  }
0x19: {  	s7 =	sld [smem:$0x3F9D]  }
0x1a: {  	s8 =	sadd.s32 $0xFFFFE003, lr  }
0x1b: {  	s9 =	sadd.s32 $0xFFFFFEF7, lr;
	s5 =	simm.s32 $0xFFFFFFFF;
	p2 =	slt.u32 s8, $0xFFFFF086  }
0x1c: {  	p1 =	slt.u32 s9, $0xF7A;
	s5 =	simm.s32 @!p2 $0x0  }
0x1d: {  	s5 =	simm.s32 @p1 $0x1;
	p0 =	seq.s32 s7, s2  }
0x1e: {  	s7 =	smul.u32 @!p0 $0xF7A, s2;
	p2 =	seq.s32 @!p0 s5, $0x0  }
0x1f: {  	s9 =	smul.u32 $0xF7A, s1;
	s8 =	simm.s32 @!p0 $0x1BF5;
	p2 =	por !p2, p0  }
0x20: {  	[sflag:s8] =	ssyncset.s32 @!p0 $0xFFFFF086;
	s6 =	sadd.s32 @!p0 s3, s7;
	s7 =	simm.s32 @!p0 $0x108  }
0x21: {  	s3 =	sadd.s32 s3, s9;
	s6 =	sadd.s32 @!p0 $0x88, s6;
	s7 =	simm.s32 @p2 $0x1082  }
0x22: {  	[simem:s7], [sflag:s8] =	dma.local @!p0 [hbm:s6], $0xF7A  }
0x23: {  	s9 =	sor.u32 $0xD0000000, s2;
	s6 =	simm.s32 $0x108;
	_ =	swait.ge @!p0 [sflag:s8], $0x0  }
0x24: {  	s3 =	sadd.s32 $0x88, s3;
	s6 =	simm.s32 @!p1 $0x1082;
	[sflag:s4] =	ssyncset.s32 $0xFFFFF086  }
0x25: {  	[simem:s6], [sflag:s4] =	dma.local [hbm:s3], $0xF7A  }
0x26: {  	[smem:$0x3F9D] =	sst s1;
	(tag) =	ssettag s2;
	_ =	strace s9  }
0x27: {  	s1 =	sld [smem:$0x3FAD]  }
0x28: {  	s2 =	sld [smem:$0x3FAE]  }
0x29: {  	s4 =	sld [smem:$0x3FB0]  }
0x2a: {  	p0 =	seq.s32 s5, $0x0;
	s5 =	sld [smem:$0x3FB1]  }
0x2b: {  	s6 =	sld [smem:$0x3FB2]  }
0x2c: {  	s7 =	sld [smem:$0x3FB3]  }
0x2d: {  	s3 =	simm.s32 $0x108;
	s8 =	sld [smem:$0x3FB4]  }
0x2e: {  	s3 =	simm.s32 @!p0 $0x1082;
	s9 =	sld [smem:$0x3FB5]  }
0x2f: {  	lr =	sadd.s32 s0, s3;
	s0 =	sld [smem:$0x3FAC]  }
0x30: {  	s3 =	sld [smem:$0x3FAF]  }
0x31: {  	[smem:$0x3FB8] =	sst s10  }
0x32: {  	s10 =	sld [smem:$0x3FB6];
	_ =	sdelay $0x3  }
0x33: {  	p0 =	seq.s32 s10, $0x1;
	s10 =	sld [smem:$0x3FB8];
	_ =	sdelay $0x3  }
0x34: {  	[smem:$0x3FB8] =	sst s10  }
0x35: {  	s10 =	sld [smem:$0x3FB7];
	_ =	sdelay $0x3  }
0x36: {  	p1 =	seq.s32 s10, $0x1;
	s10 =	sld [smem:$0x3FB8];
	_ =	sdelay $0x3  }
0x37: {  	[smem:$0x3FB8] =	sst s10  }
0x38: {  	s10 =	sld [smem:$0x3FB9]  }
0x39: {  	_ = 	snop;
	(pc) =	sbr.ind lr, $3  }
0x3a: {  	_ = 	snop  }
0x3b: {  	_ = 	snop  }
0x3c: {  	p2 =	seq.s32 s10, $0x1;
	s10 =	sld [smem:$0x3FB8]  }
0x3d: {  	_ =	shalt  }
0x3e: {  	_ =	shalt  }
0x3f: {  	_ =	shalt  }
0x40: {  	_ =	shalt  }
0x41: {  	_ =	shalt  }
0x42: {  	_ =	shalt  }
0x43: {  	_ =	shalt  }
0x44: {  	_ =	shalt  }
0x45: {  	_ =	shalt  }
0x46: {  	_ =	shalt  }
0x47: {  	_ =	shalt  }
0x48: {  	_ =	shalt  }
0x49: {  	_ =	shalt  }
0x4a: {  	_ =	shalt  }
0x4b: {  	_ =	shalt  }
0x4c: {  	_ =	shalt  }
0x4d: {  	_ =	shalt  }
0x4e: {  	_ =	shalt  }
0x4f: {  	_ =	shalt  }
0x50: {  	_ =	shalt  }
0x51: {  	_ =	shalt  }
0x52: {  	_ =	shalt  }
0x53: {  	_ =	shalt  }
0x54: {  	_ =	shalt  }
0x55: {  	_ =	shalt  }
0x56: {  	_ =	shalt  }
0x57: {  	_ =	shalt  }
0x58: {  	_ =	shalt  }
0x59: {  	_ =	shalt  }
0x5a: {  	_ =	shalt  }
0x5b: {  	_ =	shalt  }
0x5c: {  	_ =	shalt  }
0x5d: {  	_ =	shalt  }
0x5e: {  	_ =	shalt  }
0x5f: {  	_ =	shalt  }
0x60: {  	_ =	shalt  }
0x61: {  	_ =	shalt  }
0x62: {  	_ =	shalt  }
0x63: {  	_ =	shalt  }
0x64: {  	_ =	shalt  }
0x65: {  	_ =	shalt  }
0x66: {  	_ =	shalt  }
0x67: {  	_ =	shalt  }
0x68: {  	_ =	shalt  }
0x69: {  	_ =	shalt  }
0x6a: {  	_ =	shalt  }
0x6b: {  	_ =	shalt  }
0x6c: {  	_ =	shalt  }
0x6d: {  	_ =	shalt  }
0x6e: {  	_ =	shalt  }
0x6f: {  	_ =	shalt  }
0x70: {  	_ =	shalt  }
0x71: {  	_ =	shalt  }
0x72: {  	_ =	shalt  }
0x73: {  	_ =	shalt  }
0x74: {  	_ =	shalt  }
0x75: {  	_ =	shalt  }
0x76: {  	_ =	shalt  }
0x77: {  	_ =	shalt  }
0x78: {  	_ =	shalt  }
0x79: {  	_ =	shalt  }
0x7a: {  	_ =	shalt  }
0x7b: {  	_ =	shalt  }
0x7c: {  	_ =	shalt  }
0x7d: {  	_ =	shalt  }
0x7e: {  	_ =	shalt  }
0x7f: {  	_ =	shalt  }
0x80: {  	_ =	shalt  }
0x81: {  	_ =	shalt  }
0x82: {  	_ =	shalt  }
0x83: {  	_ =	shalt  }
0x84: {  	_ =	shalt  }
0x85: {  	_ =	shalt  }
0x86: {  	_ =	shalt  }
0x87: {  	_ =	shalt  }
.Lfunc_end0:
.L_simem_size_0:
called_computation.1_lowered:
.L_overlay_start_0:
0x88: {  	s2 =	sld [smem:$0x3FD9]  }
0x89: {  	s3 =	sld [smem:$0x3FFE];
	_ =	sdelay $0x1  }
0x8a: {  	s1 =	srdreg.scid  }
0x8b: {  	s0 =	sand.u32 $0x1, s1  }
0x8c: {  	s17 =	sshll.u32 s0, $0xA;
	s2 =	sadd.s32 s3, s2  }
0x8d: {  	s2 =	sadd.s32 s2, s17  }
0x8e: {  	[smem:$0x3FC4] =	sst s2  }
0x8f: {  	_ = 	snop  }
0x90: {  	s2 =	sld [smem:$0x3FD0];
	(tm) =	ssettm $0x1  }
0x91: {  	s18 =	sld [smem:$0x3FFB];
	_ =	sdelay $0x3  }
0x92: {  	_ =	strace s18  }
0x93: {  	s3 =	sld [smem:$0x3FFC];
	_ =	sdelay $0x3  }
0x94: {  	_ =	strace s3  }
0x95: {  	s3 =	sld [smem:$0x3FFD];
	_ =	sdelay $0x3  }
0x96: {  	_ =	strace s3  }
0x97: {  	_ =	strace $0x8FFFFFFF  }
0x98: {  	s19 =	sld [smem:$0x3FDB];
	_ =	sdelay $0x1  }
0x99: {  	s4 =	simm.s32 $_scs_section_size  }
0x9a: {  	s5 =	simm.s32 $_size__tile_overlayer_lowered;
	s6 =	simm.s32 $_tile_overlayer_lowered  }
0x9b: {  	s22 =	simm.s32 $0x1BFF;
	s21 =	sshll.u32 s6, $0x1;
	s3 =	sadd.s32 s4, s19  }
0x9c: {  	s7 =	simm.s32 $0x0;
	s20 =	sshll.u32 s5, $0x1;
	s5 =	sadd.s32 s21, s3  }
0x9d: {  	[timem:s7], [sflag:s22] =	dma.local [hbm:s5], s20  }
0x9e: {  	_ =	swait.ge [sflag:s22], s20  }
0x9f: {  	s4 =	ssub.s32 $0x0, s20;
	[sflag:s22] =	ssyncset.done $0x0  }
0xa0: {  	[sflag:s22] =	ssyncadd.s32 s4;
	_ =	sdelay $0x1  }
0xa1: {  	s23 =	simm.s32 $0x1B8B  }
0xa2: {  	_ =	swait.ge [sflag:s23], $0x1  }
0xa3: {  	[sflag:s23] =	ssyncset.done $0x0  }
0xa4: {  	s25 =	simm.s32 $0x1B8E;
	s24 =	sld [smem:$0x3FFE];
	[sflag:s23] =	ssyncadd.s32 $0xFFFFFFFF  }
0xa5: {  	s26 =	simm.s32 $execute0_lowered;
	[smem:$0x3FD2] =	sst s25  }
0xa6: {  	s5 =	sshll.u32 s26, $0x1;
	_ =	strace $0x80000049;
	[dreg:$0x1] =	wrdreg $0xFFFFFFFF  }
0xa7: {  	s28 =	simm.s32 $_size_execute0_lowered;
	s3 =	sadd.s32 s3, s5;
	[dreg:$0x0] =	wrdreg $0x0  }
0xa8: {  	s5 =	sshll.u32 s28, $0x1;
	[dreg:$0x2] =	wrdreg s3  }
0xa9: {  	[dreg:$0x3] =	wrdreg s5  }
0xaa: {  	[dreg:$0x4] =	wrdreg $0xC0  }
0xab: {  	_ =	task [dreg:s7], $0x5FFFF  }
0xac: {  	[dreg:$0x1] =	wrdreg $0xFFFFFFFF  }
0xad: {  	[dreg:$0x0] =	wrdreg $0x60  }
0xae: {  	[dreg:$0x2] =	wrdreg s24  }
0xaf: {  	[dreg:$0x3] =	wrdreg s2  }
0xb0: {  	[dreg:$0x4] =	wrdreg $0xAD000  }
0xb1: {  	[dreg:$0x5] =	wrdreg $0x9  }
0xb2: {  	_ =	task.clear_ibuf [dreg:s7], $0x6FFFF;
	_ =	strace $0x90000049  }
0xb3: {  	s29 =	simm.s32 $0x9;
	_ =	strace $0x8000004B  }
0xb4: {  	_ =	swait.ge [sflag:s29], $0x1  }
0xb5: {  	[sflag:s29] =	ssyncadd.s32 $0xFFFFFFFF  }
0xb6: {  	_ =	strace $0x9000004B  }
0xb7: {  	_ =	sfence  }
0xb8: {  	s30 =	sld [smem:$0x0];
	_ =	sdelay $0x2  }
0xb9: {  	s31 =	sshll.u32 s1, $0xD;
	s1 =	sshrl.u32 s1, $0x2  }
0xba: {  	s3 =	sand.u32 $0x4000, s31;
	s1 =	sadd.s32 s1, s30  }
0xbb: {  	s0 =	sor.u32 s3, s0;
	s1 =	sshll.u32 s1, $0x11  }
0xbc: {  	s0 =	sor.u32 s1, s0  }
0xbd: {  	s0 =	sadd.s32 $0x8F2B, s0  }
0xbe: {  	[sflag:s0] =	ssyncadd.remote.s32 $0x1  }
0xbf: {  	_ =	sfence.sel $0xFFFF  }
0xc0: {  	[dreg:$0x0] =	wrdreg $0xFFFFFFFF;
	(pc) =	sbr.abs _section_cstart, $3  }
0xc1: {  	[dreg:$0x1] =	wrdreg $0xFFFFFFFF  }
0xc2: {  	_ =	task.clear_ibuf [dreg:s7], $0x2FFFF;
	_ =	strace $0x9FFFFFFF  }
0xc3: {  	(tm) =	ssettm $0x7FFFFFFF  }
tec
execute0_lowered:
.L_overlay_start_1:
0x0: {  	(tag) =	ssettag $0x1  }
0x1: {  	s0 =	rddreg [dreg:$0x0]  }
0x2: {  	s2 =	rddreg [dreg:$0x1]  }
0x3: {  	s1 =	rddreg [dreg:$0x2];
	s3 =	simm.s32 $0x0;
	s4 =	srdreg.scid  }
0x4: {  	s13 =	stileid.u32;
	s17 =	simm.s32 $0x5;
	s18 =	simm.s32 $0xA900  }
0x5: {  	s19 =	simm.s32 $0x80;
	s20 =	simm.s32 $0xA980;
	s21 =	simm.s32 $0xAA00  }
0x6: {  	s22 =	simm.s32 $0xAA80;
	s28 =	simm.s32 $0x1;
	s29 =	simm.s32 $0x4  }
0x7: {  	s30 =	simm.s32 $0x4000;
	s31 =	simm.s32 $0x2;
	s7 =	smul.u32 $0x14000, s13  }
0x8: {  	[smem:$0x7FF] =	sst s3;
	s5 =	sand.u32 $0x1, s4;
	s10 =	smul.u32 $0x50, s13  }
0x9: {  	s4 =	sadd.s32 $0x5DC00, s0;
	s8 =	sshll.u32 s13, $0x7;
	s26 =	smul.u32 $0x500, s13  }
0xa: {  	s12 =	sadd.s32 $0x2C00, s0;
	s11 =	sadd.s32 $0xCC00, s0;
	s6 =	smul.u32 $0x140000, s5  }
0xb: {  	_ =	strace $0x8000004A;
	s9 =	smul.u32 $0x500, s5;
	s8 =	sadd.s32 s8, s0  }
0xc: {  	[dreg:$0x4] =	wrdreg s11;
	s23 =	ssub.s32 $0x2, s5;
	s5 =	smul.u32 $0x5000, s5  }
0xd: {  	s24 =	sshrl.u32 s23, $0x1;
	s25 =	sadd.s32 $0x2400, s8;
	s6 =	sadd.s32 s7, s6  }
0xe: {  	s9 =	sadd.s32 s10, s9;
	s15 =	ssub.s32 s23, s24;
	[dreg:$0x5] =	wrdreg s25  }
0xf: {  	s5 =	sadd.s32 s5, s12;
	s23 =	simm.s32 $0xAB00;
	s25 =	simm.s32 $0x8000  }
0x10: {  	s6 =	sshrl.u32 s6, $0x3;
	s9 =	sshll.u32 s9, $0x4;
	s15 =	smax.u32 s15, $0x1  }
0x11: {  	s0 =	sadd.s32 s6, s0;
	s7 =	sadd.s32 s12, s9;
	s2 =	sadd.s32 s2, s9  }
0x12: {  	[dreg:$0x6] =	wrdreg s2;
	s9 =	sadd.s32 $0x10, s7;
	s10 =	sadd.s32 $0x85C00, s0  }
0x13: {  	s11 =	sadd.s32 $0x86400, s0;
	s12 =	sadd.s32 $0x86C00, s0;
	s13 =	sadd.s32 $0x87400, s0  }
0x14: {  	s2 =	sadd.s32 s26, s5;
	s14 =	sadd.s32 $0x87C00, s0;
	s26 =	simm.s32 $0x8080  }
0x15: {  	s0 =	simm.s32 $0x3;
	s5 =	sadd.s32 $0x30, s2;
	s2 =	simm.s32 $0x0  }
.LBB2_1:
0x16: {  	s6 =	rddreg [dreg:$0x4]  }
0x17: {  	[tilespmem:s3], [sflag:$0x5] =	stream.linear.gather [hbm4b:s6+s3], $0x4000, $0x38;
	[tilespmem:$0x1ED00] =	vst v63  }
0x18: {  	_ =	swait.ge [sflag:s17], $0x4000  }
0x19: {  	[sflag:s17] =	ssyncset.done $0x0  }
0x1a: {  	s16 =	rddreg [dreg:$0x5];
	[sflag:s17] =	ssyncadd.s32 $0xFFFFC000  }
0x1b: {  	[tilespmem:s18], [sflag:$0x5] =	stream.linear.gather [hbm4b:s16+s3], $0x400, $0x38;
	[tilespmem:$0x1ED00] =	vst v63  }
0x1c: {  	_ =	swait.ge [sflag:s17], $0x400  }
0x1d: {  	[sflag:s17] =	ssyncset.done $0x0  }
0x1e: {  	[sflag:s17] =	ssyncadd.s32 $0xFFFFFC00  }
0x1f: {  	[spmem:s1] =	stream.indirect.scatter [tilespmem:s3], [sflag:$0x5], $0x80, s18, s19, $0xb8;
	[tilespmem:$0x1ED00] =	vst v63  }
0x20: {  	_ =	swait.ge [sflag:s17], $0x4000  }
0x21: {  	[sflag:s17] =	ssyncset.done $0x0  }
0x22: {  	[sflag:s17] =	ssyncadd.s32 $0xFFFFC000  }
0x23: {  	[spmem:s1] =	stream.indirect.scatter [tilespmem:s3], [sflag:$0x5], $0x80, s20, s19, $0xb8;
	[tilespmem:$0x1ED00] =	vst v63  }
0x24: {  	_ =	swait.ge [sflag:s17], $0x4000  }
0x25: {  	[sflag:s17] =	ssyncset.done $0x0  }
0x26: {  	[sflag:s17] =	ssyncadd.s32 $0xFFFFC000  }
0x27: {  	[spmem:s1] =	stream.indirect.scatter [tilespmem:s3], [sflag:$0x5], $0x80, s21, s19, $0xb8;
	[tilespmem:$0x1ED00] =	vst v63  }
0x28: {  	_ =	swait.ge [sflag:s17], $0x4000  }
0x29: {  	[sflag:s17] =	ssyncset.done $0x0  }
0x2a: {  	[sflag:s17] =	ssyncadd.s32 $0xFFFFC000  }
0x2b: {  	[spmem:s1] =	stream.indirect.scatter [tilespmem:s3], [sflag:$0x5], $0x80, s22, s19, $0xb8;
	[tilespmem:$0x1ED00] =	vst v63  }
0x2c: {  	_ =	swait.ge [sflag:s17], $0x4000  }
0x2d: {  	[sflag:s17] =	ssyncset.done $0x0  }
0x2e: {  	[sflag:s17] =	ssyncadd.s32 $0xFFFFC000  }
0x2f: {  	[spmem:s1] =	stream.indirect.scatter [tilespmem:s3], [sflag:$0x5], $0x80, s23, s19, $0xb8;
	[tilespmem:$0x1ED00] =	vst v63  }
0x30: {  	_ =	swait.ge [sflag:s17], $0x4000  }
0x31: {  	[sflag:s17] =	ssyncset.done $0x0  }
0x32: {  	[sflag:s17] =	ssyncadd.s32 $0xFFFFC000  }
0x33: {  	[bflag:$0x0] =	sbarrier.arrive $0xFFFF  }
0x34: {  	s8 =	simm.s32 $0x8100;
	s24 =	rddreg [dreg:$0x6]  }
0x35: {  	[tilespmem:s8], [sflag:$0x5] =	stream.linear.gather [hbm4b:s24+s3], $0x2800, $0x38;
	[tilespmem:$0x1ED00] =	vst v63  }
0x36: {  	_ =	swait.ge [sflag:s17], $0x2800  }
0x37: {  	[sflag:s17] =	ssyncset.done $0x0  }
0x38: {  	[sflag:s17] =	ssyncadd.s32 $0xFFFFD800  }
0x39: {  	[tilespmem:s25], [sflag:$0x5] =	stream.linear.gather [hbm4b:s7+s3], $0x80, $0x38;
	[tilespmem:$0x1ED00] =	vst v63  }
0x3a: {  	_ =	swait.ge [sflag:s17], $0x80  }
0x3b: {  	[sflag:s17] =	ssyncset.done $0x0  }
0x3c: {  	[sflag:s17] =	ssyncadd.s32 $0xFFFFFF80  }
0x3d: {  	[tilespmem:s26], [sflag:$0x4] =	stream.linear.gather [hbm4b:s9+s3], $0x80, $0x38;
	[tilespmem:$0x1ED00] =	vst v63  }
0x3e: {  	_ = 	snop  }
0x3f: {  	[tilespmem:s3], [sflag:$0x1] =	stream.indirect.gather [hbm4b:s4+s19], $0x80, s25, s19, $0xb8;
	[tilespmem:$0x1ED00] =	vst v63  }
0x40: {  	_ =	swait.ge [sflag:s28], $0x4000  }
0x41: {  	[sflag:s28] =	ssyncset.done $0x0  }
0x42: {  	s16 =	sadd.s32 $0xFFFFFFF0, s5;
	[sflag:s28] =	ssyncadd.s32 $0xFFFFC000  }
0x43: {  	[tilespmem:s25], [sflag:$0x3] =	stream.linear.gather [hbm4b:s16+s3], $0x80, $0x38;
	[tilespmem:$0x1ED00] =	vst v63  }
0x44: {  	_ =	swait.ge [sflag:s29], $0x80  }
0x45: {  	[sflag:s29] =	ssyncset.done $0x0  }
0x46: {  	[sflag:s29] =	ssyncadd.s32 $0xFFFFFF80  }
0x47: {  	[tilespmem:s30], [sflag:$0x2] =	stream.indirect.gather [hbm4b:s4+s19], $0x80, s26, s19, $0xb8;
	[tilespmem:$0x1ED00] =	vst v63  }
0x48: {  	s8 =	simm.s32 $0x8100  }
0x49: {  	[spmem:s1] =	stream.indirect.scatter.add.f32 [tilespmem:s3], [sflag:$0x5], $0x80, s8, s19, $0xb8;
	[tilespmem:$0x1ED00] =	vst v63  }
0x4a: {  	_ =	swait.ge [sflag:s17], $0x4000  }
0x4b: {  	[sflag:s17] =	ssyncset.done $0x0  }
0x4c: {  	[sflag:s17] =	ssyncadd.s32 $0xFFFFC000  }
0x4d: {  	_ =	swait.ge [sflag:s31], $0x4000  }
0x4e: {  	[sflag:s31] =	ssyncset.done $0x0  }
0x4f: {  	[sflag:s31] =	ssyncadd.s32 $0xFFFFC000  }
0x50: {  	[tilespmem:s26], [sflag:$0x4] =	stream.linear.gather [hbm4b:s5+s3], $0x80, $0x38;
	[tilespmem:$0x1ED00] =	vst v63  }
0x51: {  	_ =	swait.ge [sflag:s0], $0x80  }
0x52: {  	[sflag:s0] =	ssyncset.done $0x0  }
0x53: {  	[sflag:s0] =	ssyncadd.s32 $0xFFFFFF80  }
0x54: {  	[tilespmem:s3], [sflag:$0x1] =	stream.indirect.gather [hbm4b:s4+s19], $0x80, s25, s19, $0xb8;
	[tilespmem:$0x1ED00] =	vst v63  }
0x55: {  	s24 =	simm.s32 $0x8180  }
0x56: {  	[spmem:s1] =	stream.indirect.scatter.add.f32 [tilespmem:s30], [sflag:$0x5], $0x80, s24, s19, $0xb8;
	[tilespmem:$0x1ED00] =	vst v63  }
0x57: {  	_ =	swait.ge [sflag:s17], $0x4000  }
0x58: {  	s16 =	smov.u32 s5;
	s24 =	simm.s32 $0x400;
	[sflag:s17] =	ssyncset.done $0x0  }
.LBB2_2:
0x59: {  	p0 =	sne.s32 s24, $0x9800;
	[sflag:s17] =	ssyncadd.s32 $0xFFFFC000;
	s16 =	sadd.s32 $0x20, s16  }
0x5a: {  	s6 =	smov.u32 s24;
	s24 =	sadd.s32 $0x400, s24  }
0x5b: {  	_ =	swait.ge [sflag:s28], $0x4000  }
0x5c: {  	[sflag:s28] =	ssyncset.done $0x0  }
0x5d: {  	s8 =	sadd.s32 $0xFFFFFFF0, s16;
	[sflag:s28] =	ssyncadd.s32 $0xFFFFC000  }
0x5e: {  	[tilespmem:s25], [sflag:$0x3] =	stream.linear.gather [hbm4b:s8+s3], $0x80, $0x38;
	[tilespmem:$0x1ED00] =	vst v63  }
0x5f: {  	_ =	swait.ge [sflag:s29], $0x80  }
0x60: {  	[sflag:s29] =	ssyncset.done $0x0  }
0x61: {  	s6 =	sshra.s32 s6, $0x2;
	[sflag:s29] =	ssyncadd.s32 $0xFFFFFF80  }
0x62: {  	[tilespmem:s30], [sflag:$0x2] =	stream.indirect.gather [hbm4b:s4+s19], $0x80, s26, s19, $0xb8;
	[tilespmem:$0x1ED00] =	vst v63  }
0x63: {  	s8 =	sadd.s32 $0x8100, s6  }
0x64: {  	[spmem:s1] =	stream.indirect.scatter.add.f32 [tilespmem:s3], [sflag:$0x5], $0x80, s8, s19, $0xb8;
	[tilespmem:$0x1ED00] =	vst v63  }
0x65: {  	_ =	swait.ge [sflag:s17], $0x4000  }
0x66: {  	[sflag:s17] =	ssyncset.done $0x0  }
0x67: {  	[sflag:s17] =	ssyncadd.s32 $0xFFFFC000  }
0x68: {  	_ =	swait.ge [sflag:s31], $0x4000  }
0x69: {  	[sflag:s31] =	ssyncset.done $0x0  }
0x6a: {  	[sflag:s31] =	ssyncadd.s32 $0xFFFFC000  }
0x6b: {  	[tilespmem:s26], [sflag:$0x4] =	stream.linear.gather [hbm4b:s16+s3], $0x80, $0x38;
	[tilespmem:$0x1ED00] =	vst v63  }
0x6c: {  	_ =	swait.ge [sflag:s0], $0x80  }
0x6d: {  	[sflag:s0] =	ssyncset.done $0x0  }
0x6e: {  	[sflag:s0] =	ssyncadd.s32 $0xFFFFFF80  }
0x6f: {  	[tilespmem:s3], [sflag:$0x1] =	stream.indirect.gather [hbm4b:s4+s19], $0x80, s25, s19, $0xb8;
	[tilespmem:$0x1ED00] =	vst v63  }
.Ltmp0:
0x70: {  	_ = 	snop;
	(pc) =	sbr.rel @p0 .LBB2_2-.Ltmp0, $4  }
0x71: {  	s6 =	sadd.s32 $0x8180, s6  }
0x72: {  	[spmem:s1] =	stream.indirect.scatter.add.f32 [tilespmem:s30], [sflag:$0x5], $0x80, s6, s19, $0xb8;
	[tilespmem:$0x1ED00] =	vst v63  }
0x73: {  	_ =	swait.ge [sflag:s17], $0x4000  }
0x74: {  	[sflag:s17] =	ssyncset.done $0x0  }
0x75: {  	[sflag:s17] =	ssyncadd.s32 $0xFFFFC000  }
0x76: {  	_ =	swait.ge [sflag:s28], $0x4000  }
0x77: {  	[sflag:s28] =	ssyncset.done $0x0  }
0x78: {  	[sflag:s28] =	ssyncadd.s32 $0xFFFFC000  }
0x79: {  	_ =	swait.ge [sflag:s29], $0x80  }
0x7a: {  	[sflag:s29] =	ssyncset.done $0x0  }
0x7b: {  	[sflag:s29] =	ssyncadd.s32 $0xFFFFFF80  }
0x7c: {  	[tilespmem:s30], [sflag:$0x2] =	stream.indirect.gather [hbm4b:s4+s19], $0x80, s26, s19, $0xb8;
	[tilespmem:$0x1ED00] =	vst v63  }
0x7d: {  	s6 =	simm.s32 $0xA800  }
0x7e: {  	[spmem:s1] =	stream.indirect.scatter.add.f32 [tilespmem:s3], [sflag:$0x5], $0x80, s6, s19, $0xb8;
	[tilespmem:$0x1ED00] =	vst v63  }
0x7f: {  	_ =	swait.ge [sflag:s17], $0x4000  }
0x80: {  	[sflag:s17] =	ssyncset.done $0x0  }
0x81: {  	[sflag:s17] =	ssyncadd.s32 $0xFFFFC000  }
0x82: {  	_ =	swait.ge [sflag:s31], $0x4000  }
0x83: {  	[sflag:s31] =	ssyncset.done $0x0  }
0x84: {  	s24 =	simm.s32 $0xA880;
	[sflag:s31] =	ssyncadd.s32 $0xFFFFC000  }
0x85: {  	[spmem:s1] =	stream.indirect.scatter.add.f32 [tilespmem:s30], [sflag:$0x5], $0x80, s24, s19, $0xb8;
	[tilespmem:$0x1ED00] =	vst v63  }
0x86: {  	_ =	swait.ge [sflag:s17], $0x4000  }
0x87: {  	[sflag:s17] =	ssyncset.done $0x0  }
0x88: {  	[sflag:s17] =	ssyncadd.s32 $0xFFFFC000  }
0x89: {  	[bflag:$0x0] =	sbarrier.arrive $0xFFFF  }
0x8a: {  	[tilespmem:s3], [sflag:$0x5] =	stream.indirect.gather [spmem:s1], $0x80, s18, s19, $0xb8;
	[tilespmem:$0x1ED00] =	vst v63  }
0x8b: {  	_ =	swait.ge [sflag:s17], $0x4000  }
0x8c: {  	[sflag:s17] =	ssyncset.done $0x0  }
0x8d: {  	[sflag:s17] =	ssyncadd.s32 $0xFFFFC000  }
0x8e: {  	[hbm4b:s10+s3] =	stream.linear.scatter [tilespmem:s3], [sflag:$0x5], $0x4000, $0x38;
	[tilespmem:$0x1ED00] =	vst v63  }
0x8f: {  	_ =	swait.ge [sflag:s17], $0x4000  }
0x90: {  	[sflag:s17] =	ssyncset.done $0x0  }
0x91: {  	[sflag:s17] =	ssyncadd.s32 $0xFFFFC000  }
0x92: {  	[tilespmem:s3], [sflag:$0x5] =	stream.indirect.gather [spmem:s1], $0x80, s20, s19, $0xb8;
	[tilespmem:$0x1ED00] =	vst v63  }
0x93: {  	_ =	swait.ge [sflag:s17], $0x4000  }
0x94: {  	[sflag:s17] =	ssyncset.done $0x0  }
0x95: {  	[sflag:s17] =	ssyncadd.s32 $0xFFFFC000  }
0x96: {  	[hbm4b:s11+s3] =	stream.linear.scatter [tilespmem:s3], [sflag:$0x5], $0x4000, $0x38;
	[tilespmem:$0x1ED00] =	vst v63  }
0x97: {  	_ =	swait.ge [sflag:s17], $0x4000  }
0x98: {  	[sflag:s17] =	ssyncset.done $0x0  }
0x99: {  	[sflag:s17] =	ssyncadd.s32 $0xFFFFC000  }
0x9a: {  	[tilespmem:s3], [sflag:$0x5] =	stream.indirect.gather [spmem:s1], $0x80, s21, s19, $0xb8;
	[tilespmem:$0x1ED00] =	vst v63  }
0x9b: {  	_ =	swait.ge [sflag:s17], $0x4000  }
0x9c: {  	[sflag:s17] =	ssyncset.done $0x0  }
0x9d: {  	[sflag:s17] =	ssyncadd.s32 $0xFFFFC000  }
0x9e: {  	[hbm4b:s12+s3] =	stream.linear.scatter [tilespmem:s3], [sflag:$0x5], $0x4000, $0x38;
	[tilespmem:$0x1ED00] =	vst v63  }
0x9f: {  	_ =	swait.ge [sflag:s17], $0x4000  }
0xa0: {  	[sflag:s17] =	ssyncset.done $0x0  }
0xa1: {  	[sflag:s17] =	ssyncadd.s32 $0xFFFFC000  }
0xa2: {  	[tilespmem:s3], [sflag:$0x5] =	stream.indirect.gather [spmem:s1], $0x80, s22, s19, $0xb8;
	[tilespmem:$0x1ED00] =	vst v63  }
0xa3: {  	_ =	swait.ge [sflag:s17], $0x4000  }
0xa4: {  	[sflag:s17] =	ssyncset.done $0x0  }
0xa5: {  	[sflag:s17] =	ssyncadd.s32 $0xFFFFC000  }
0xa6: {  	[hbm4b:s13+s3] =	stream.linear.scatter [tilespmem:s3], [sflag:$0x5], $0x4000, $0x38;
	[tilespmem:$0x1ED00] =	vst v63  }
0xa7: {  	_ =	swait.ge [sflag:s17], $0x4000  }
0xa8: {  	[sflag:s17] =	ssyncset.done $0x0  }
0xa9: {  	[sflag:s17] =	ssyncadd.s32 $0xFFFFC000  }
0xaa: {  	[tilespmem:s3], [sflag:$0x5] =	stream.indirect.gather [spmem:s1], $0x80, s23, s19, $0xb8;
	[tilespmem:$0x1ED00] =	vst v63  }
0xab: {  	s2 =	sadd.s32 $0x1, s2;
	_ =	swait.ge [sflag:s17], $0x4000  }
0xac: {  	p0 =	sne.s32 s2, s15;
	[sflag:s17] =	ssyncset.done $0x0  }
.Ltmp1:
0xad: {  	[sflag:s17] =	ssyncadd.s32 $0xFFFFC000;
	(pc) =	sbr.rel @p0 .LBB2_1-.Ltmp1, $4  }
0xae: {  	[hbm4b:s14+s3] =	stream.linear.scatter [tilespmem:s3], [sflag:$0x5], $0x4000, $0x38;
	[tilespmem:$0x1ED00] =	vst v63  }
0xaf: {  	_ =	swait.ge [sflag:s17], $0x4000  }
0xb0: {  	[sflag:s17] =	ssyncset.done $0x0  }
0xb1: {  	[sflag:s17] =	ssyncadd.s32 $0xFFFFC000  }
0xb2: {  	_ =	sfence.sel $0x180000  }
0xb3: {  	[bflag:$0x0] =	sbarrier.arrive $0xFFFF  }
0xb4: {  	_ =	strace $0x9000004A  }
0xb5: {  	s0 =	stileid.u32;
	[bflag:$0x2] =	sbarrier.arrive $0xFFFF  }
0xb6: {  	p0 =	sne.s32 s0, $0x0;
	s0 =	rddreg [dreg:$0x3]  }
0xb7: {  	s0 =	sadd.s32 @!p0 $0x100000, s0  }
0xb8: {  	[sflag:s0] =	ssyncadd.tile.s32 @!p0 $0x1;
	_ =	shalt  }
.Lfunc_end2:
_tile_overlayer_lowered:
.L_overlay_start_2:
0xb9: {  	(tag) =	ssettag $0x2  }
0xba: {  	s0 =	rddreg [dreg:$0x0];
	s2 =	stileid.u32  }
0xbb: {  	s1 =	rddreg [dreg:$0x1];
	p0 =	sne.s32 s2, $0x0  }
0xbc: {  	s3 =	rddreg [dreg:$0x2];
	[bflag:$0x3] =	sbarrier.arrive $0xFFFF;
	s2 =	simm.s32 @!p0 $0x1C05  }
0xbd: {  	[timem:s3], [sflag:s2] =	dma.local @!p0 [hbm:s0], s1  }
0xbe: {  	s0 =	simm.s32 @!p0 $0x5  }
0xbf: {  	_ =	swait.ge @!p0 [sflag:s0], s1  }
0xc0: {  	s1 =	ssub.s32 @!p0 $0x0, s1;
	[sflag:s0] =	ssyncset.done @!p0 $0x0  }
0xc1: {  	[sflag:s0] =	ssyncadd.s32 @!p0 s1  }
0xc2: {  	[bflag:$0x3] =	sbarrier.arrive $0xFFFF  }
0xc3: {  	_ =	shalt  }

</sc_bundles>
